<compile_context>
chip_gen: v7x
topology: tpu7x:2x2x1
jax: 0.10.2.dev20260603
libtpu: 0.0.44.dev20260713+nightly
codegen_flags: <defaults>
</compile_context>

<pallas_src>
import functools

import jax
import jax.numpy as jnp
from jax import lax
from jax.experimental import pallas as pl
from jax.experimental.pallas import tpu as pltpu
from jax.experimental.pallas import tpu_sc as plsc

E = 8
K = 2
D = 1024
F = 2048
T = 2048
A = K * T
BLK = 256
NB = A // BLK + E
NPAD = NB * BLK
CH = 512
NEG = -1e30

NW = 32


def _router_body(x_ref, wrp_ref, pos_ref, gates_ref, counts_ref):
    lg = jnp.dot(x_ref[...], wrp_ref[...], preferred_element_type=jnp.float32)
    col = lax.broadcasted_iota(jnp.int32, lg.shape, 1)
    lg = jnp.where(col < E, lg, NEG)
    m1 = jnp.max(lg, axis=1, keepdims=True)
    i1 = jnp.min(jnp.where(lg == m1, col, 128), axis=1, keepdims=True)
    lg2 = jnp.where(col == i1, NEG, lg)
    m2 = jnp.max(lg2, axis=1, keepdims=True)
    i2 = jnp.min(jnp.where(lg2 == m2, col, 128), axis=1, keepdims=True)
    g1 = 1.0 / (1.0 + jnp.exp(m2 - m1))
    g2 = 1.0 - g1

    r = lax.broadcasted_iota(jnp.int32, (CH, CH), 0)
    c = lax.broadcasted_iota(jnp.int32, (CH, CH), 1)
    tri = (c < r).astype(jnp.bfloat16)
    ccol = lax.broadcasted_iota(jnp.int32, (CH, 128), 1)
    carry = jnp.zeros((1, 128), jnp.float32)
    ranks, onehots = [], []
    n_per_k = T // CH
    for ch in range(A // CH):
        k = ch // n_per_k
        t0 = (ch % n_per_k) * CH
        e_chunk = (i1 if k == 0 else i2)[t0:t0 + CH]
        oh = (ccol == e_chunk).astype(jnp.float32)
        p = jnp.dot(tri, oh.astype(jnp.bfloat16),
                    preferred_element_type=jnp.float32) + carry
        ranks.append(jnp.sum(p * oh, axis=1, keepdims=True))
        onehots.append(oh)
        carry = carry + jnp.sum(oh, axis=0, keepdims=True)

    counts_ref[...] = carry
    pcb = jnp.ceil(carry / BLK)
    row = lax.broadcasted_iota(jnp.int32, (1, 128), 1)
    ps = jnp.zeros((1, 128), jnp.float32)
    for e in range(E):
        ps_e = jnp.sum(jnp.where(row < e, pcb, 0.0), axis=1, keepdims=True)
        ps = ps + jnp.where(row == e, ps_e, 0.0)
    ps = ps * BLK

    for ch in range(A // CH):
        ps_sel = jnp.sum(onehots[ch] * ps, axis=1, keepdims=True)
        pos_chunk = (ps_sel + ranks[ch]).astype(jnp.int32)
        pos_ref[ch * CH:(ch + 1) * CH, :] = pos_chunk
        k = ch // n_per_k
        t0 = (ch % n_per_k) * CH
        g_chunk = (g1 if k == 0 else g2)[t0:t0 + CH]
        gates_ref[ch * CH:(ch + 1) * CH, :] = g_chunk


def _sc_dispatch_body(x_hbm, pos_hbm, xs_hbm, posv, xv, sem):
    wid = lax.axis_index("s") * 2 + lax.axis_index("c")
    for j in range(2):
        a_base = wid * (A // NW) + j * 64
        t_base = lax.rem(a_base, T)
        pltpu.sync_copy(pos_hbm.at[pl.ds(a_base, 64)], posv)
        pltpu.sync_copy(x_hbm.at[pl.ds(t_base, 64)], xv)
        pltpu.async_copy(xv, xs_hbm.at[posv], sem).wait()


@functools.cache
def _sc_dispatch():
    return pl.kernel(
        _sc_dispatch_body,
        mesh=plsc.VectorSubcoreMesh(core_axis_name="c", subcore_axis_name="s"),
        out_type=jax.ShapeDtypeStruct((NPAD, D), jnp.float32),
        scratch_types=[
            pltpu.VMEM((64,), jnp.int32),
            pltpu.VMEM((64, D), jnp.float32),
            pltpu.SemaphoreType.DMA,
        ],
    )


def _ffn_body(s_ref, xs_ref, w1_ref, b1_ref, w2_ref, b2_ref, out_ref):
    b = pl.program_id(0)

    @pl.when(s_ref[b] < E)
    def _():
        xb = xs_ref[...].astype(jnp.bfloat16)
        h1 = jnp.dot(xb, w1_ref[0], preferred_element_type=jnp.float32)
        h1 = h1 + b1_ref[0]
        g = jax.nn.gelu(h1)
        h2 = jnp.dot(g.astype(jnp.bfloat16), w2_ref[0],
                     preferred_element_type=jnp.float32) + b2_ref[0]
        out_ref[...] = h2


def _sc_gather2_body(h_hbm, pos_hbm, h0_hbm, h1_hbm, p0v, p1v, r0v, r1v, sem):
    wid = lax.axis_index("s") * 2 + lax.axis_index("c")
    for j in range(2):
        t_base = wid * (T // NW) + j * 32
        pltpu.sync_copy(pos_hbm.at[pl.ds(t_base, 32)], p0v)
        pltpu.sync_copy(pos_hbm.at[pl.ds(T + t_base, 32)], p1v)
        pltpu.async_copy(h_hbm.at[p0v], r0v, sem).wait()
        pltpu.sync_copy(r0v, h0_hbm.at[pl.ds(t_base, 32)])
        pltpu.async_copy(h_hbm.at[p1v], r1v, sem).wait()
        pltpu.sync_copy(r1v, h1_hbm.at[pl.ds(t_base, 32)])


@functools.cache
def _sc_gather2():
    return pl.kernel(
        _sc_gather2_body,
        mesh=plsc.VectorSubcoreMesh(core_axis_name="c", subcore_axis_name="s"),
        out_type=(
            jax.ShapeDtypeStruct((T, D), jnp.float32),
            jax.ShapeDtypeStruct((T, D), jnp.float32),
        ),
        scratch_types=[
            pltpu.VMEM((32,), jnp.int32),
            pltpu.VMEM((32,), jnp.int32),
            pltpu.VMEM((32, D), jnp.float32),
            pltpu.VMEM((32, D), jnp.float32),
            pltpu.SemaphoreType.DMA,
        ],
    )


def _mix_body(h0_ref, h1_ref, g0_ref, g1_ref, out_ref):
    out_ref[...] = g0_ref[...] * h0_ref[...] + g1_ref[...] * h1_ref[...]


def kernel(x, Wr, W1, b1, W2, b2):
    wr_pad = jnp.zeros((D, 128), jnp.float32).at[:, :E].set(Wr)
    pos2d, gates2d, counts = pl.pallas_call(
        _router_body,
        out_shape=(
            jax.ShapeDtypeStruct((A, 1), jnp.int32),
            jax.ShapeDtypeStruct((A, 1), jnp.float32),
            jax.ShapeDtypeStruct((1, 128), jnp.float32),
        ),
    )(x, wr_pad)
    pos = pos2d.reshape(A)

    pc = jnp.ceil(counts[0, :E] / BLK).astype(jnp.int32) * BLK
    ps_incl = jnp.cumsum(pc)
    bexp = jnp.searchsorted(
        ps_incl, jnp.arange(NB, dtype=jnp.int32) * BLK, side="right"
    ).astype(jnp.int32)

    x_sorted = _sc_dispatch()(x, pos)

    w1b = W1.astype(jnp.bfloat16)
    w2b = W2.astype(jnp.bfloat16)
    h_sorted = pl.pallas_call(
        _ffn_body,
        grid_spec=pltpu.PrefetchScalarGridSpec(
            num_scalar_prefetch=1,
            grid=(NB,),
            in_specs=[
                pl.BlockSpec((BLK, D), lambda b, s: (b, 0)),
                pl.BlockSpec((1, D, F), lambda b, s: (jnp.minimum(s[b], E - 1), 0, 0)),
                pl.BlockSpec((1, 1, F), lambda b, s: (jnp.minimum(s[b], E - 1), 0, 0)),
                pl.BlockSpec((1, F, D), lambda b, s: (jnp.minimum(s[b], E - 1), 0, 0)),
                pl.BlockSpec((1, 1, D), lambda b, s: (jnp.minimum(s[b], E - 1), 0, 0)),
            ],
            out_specs=pl.BlockSpec((BLK, D), lambda b, s: (b, 0)),
        ),
        out_shape=jax.ShapeDtypeStruct((NPAD, D), jnp.float32),
    )(bexp, x_sorted, w1b, b1.reshape(E, 1, F), w2b, b2.reshape(E, 1, D))

    h0, h1 = _sc_gather2()(h_sorted, pos)
    return pl.pallas_call(
        _mix_body,
        out_shape=jax.ShapeDtypeStruct((T, D), jnp.float32),
    )(h0, h1, gates2d[:T], gates2d[T:])

# --- scband reference (transcript-rebuilt; emitter-appended) ---
"""Pipeline reference for scband-enhanced-vulnerability-detector-35914516529265 (READ-ONLY COPY).

The authoritative reference and input builder live on the scoring server;
editing this copy changes nothing except your own understanding.
"""

import jax, jax.numpy as jnp
import numpy as np

NUM_EXPERTS = 8
TOP_K = 2
D_MODEL = 1024
D_FF = 2048
T = 2048


def setup_inputs(seed: int = 0) -> dict:
    key = jax.random.key(seed)
    ks = jax.random.split(key, 5)
    x = jax.random.normal(ks[0], (T, D_MODEL), dtype=jnp.float32)
    Wr = jax.random.normal(ks[1], (D_MODEL, NUM_EXPERTS), dtype=jnp.float32) * 0.02
    W1 = jax.random.normal(ks[2], (NUM_EXPERTS, D_MODEL, D_FF), dtype=jnp.float32) * 0.02
    b1 = jnp.zeros((NUM_EXPERTS, D_FF), dtype=jnp.float32)
    W2 = jax.random.normal(ks[3], (NUM_EXPERTS, D_FF, D_MODEL), dtype=jnp.float32) * 0.02
    b2 = jnp.zeros((NUM_EXPERTS, D_MODEL), dtype=jnp.float32)
    return {"x": x, "Wr": Wr, "W1": W1, "b1": b1, "W2": W2, "b2": b2}


def reference(x, Wr, W1, b1, W2, b2):
    # Router: per-token logits over experts, select top-k, softmax over the
    # selected logits to form gates (standard specialized-MoE routing).
    logits = x @ Wr                               # [T, E]
    top_vals, top_idx = jax.lax.top_k(logits, TOP_K)  # [T, K]
    gates = jax.nn.softmax(top_vals, axis=-1)         # [T, K]
    # Scatter gates into a dense [T, E] combine matrix (zero where unrouted).
    t_ids = jnp.arange(x.shape[0])[:, None]
    combine = jnp.zeros((x.shape[0], NUM_EXPERTS), dtype=x.dtype)
    combine = combine.at[t_ids, top_idx].add(gates)   # [T, E]
    # Expert FFNs (GELU MLP per expert), gate-weighted combine.
    out = jnp.zeros_like(x)
    for e in range(NUM_EXPERTS):
        h = jax.nn.gelu(x @ W1[e] + b1[e]) @ W2[e] + b2[e]  # [T, D_MODEL]
        out = out + combine[:, e:e + 1] * h
    return out

if __name__ == "__main__":
    import jax
    _d = setup_inputs()
    print(jax.jit(kernel)(*tuple(_d.values())))

</pallas_src>

<mosaic_0001>
#map = affine_map<(d0, d1) -> (0, 0)>
#map1 = affine_map<(d0, d1) -> (0)>
module attributes {stable_mosaic.version = 14 : i64} {
  func.func @_sc_dispatch_body(%arg0: i32, %arg1: i32, %arg2: memref<2048x1024xf32, #tpu.memory_space<hbm>>, %arg3: memref<4096xi32, #tpu.memory_space<hbm>>, %arg4: memref<6144x1024xf32, #tpu.memory_space<hbm>>, %arg5: memref<64xi32, #tpu.memory_space<vmem>>, %arg6: memref<64x1024xf32, #tpu.memory_space<vmem>>, %arg7: memref<!tpu.dma_semaphore, #tpu.memory_space<semaphore_mem>>) attributes {dimension_semantics = [#tpu.dimension_semantics<core_parallel>, #tpu.dimension_semantics<subcore_parallel>], iteration_bounds = array<i64: 2, 16>, scalar_prefetch = 0 : i64, scratch_operands = 3 : i64, tpu.core_type = #tpu.core_type<sc_vector_subcore>, window_params = [{transform_indices = #map}, {transform_indices = #map1}, {transform_indices = #map}]} {
    %mul3A = arith.constant 2 : i32
    %mul3A_0 = arith.muli %arg1, %mul3A : i32
    %add3A = arith.addi %mul3A_0, %arg0 : i32
    %mul3A_1 = arith.constant 128 : i32
    %mul3A_2 = arith.muli %add3A, %mul3A_1 : i32
    %add3A_3 = arith.constant 0 : i32
    %add3A_4 = arith.addi %mul3A_2, %add3A_3 : i32
    %rem3A = arith.constant 2048 : i32
    %rem3A_5 = arith.remsi %add3A_4, %rem3A : i32
    "tpu.region"() ({
      %run_scoped3A = tpu.sem_alloc : memref<!tpu.dma_semaphore, #tpu.memory_space<semaphore_mem>>
      %dma_start3A_22 = tpu.memref_slice %arg3[%add3A_4] : memref<4096xi32, #tpu.memory_space<hbm>> -> memref<64xi32, #tpu.memory_space<hbm>>
      %dma_start3A_23 = tpu.memref_slice %arg3[%add3A_4] : memref<4096xi32, #tpu.memory_space<hbm>> -> memref<64xi32, #tpu.memory_space<hbm>>
      tpu.enqueue_dma source(%dma_start3A_23 : memref<64xi32, #tpu.memory_space<hbm>>) target(%arg5 : memref<64xi32, #tpu.memory_space<vmem>>) target_semaphore(%run_scoped3A : memref<!tpu.dma_semaphore, #tpu.memory_space<semaphore_mem>>)
      %dma_wait3A_24 = tpu.memref_slice %arg3[%add3A_4] : memref<4096xi32, #tpu.memory_space<hbm>> -> memref<64xi32, #tpu.memory_space<hbm>>
      %dma_wait3A_25 = tpu.memref_slice %arg3[%add3A_4] : memref<4096xi32, #tpu.memory_space<hbm>> -> memref<64xi32, #tpu.memory_space<hbm>>
      tpu.wait_dma2 semaphore(%run_scoped3A : memref<!tpu.dma_semaphore, #tpu.memory_space<semaphore_mem>>) src(%dma_wait3A_25 : memref<64xi32, #tpu.memory_space<hbm>>) dst(%arg5 : memref<64xi32, #tpu.memory_space<vmem>>)
      tpu.yield
    }) : () -> ()
    "tpu.region"() ({
      %run_scoped3A = tpu.sem_alloc : memref<!tpu.dma_semaphore, #tpu.memory_space<semaphore_mem>>
      %dma_start3A_22 = arith.constant 0 : i32
      %dma_start3A_23 = tpu.memref_slice %arg2[%rem3A_5, %dma_start3A_22] : memref<2048x1024xf32, #tpu.memory_space<hbm>> -> memref<64x1024xf32, #tpu.memory_space<hbm>>
      %dma_start3A_24 = arith.constant 0 : i32
      %dma_start3A_25 = tpu.memref_slice %arg2[%rem3A_5, %dma_start3A_24] : memref<2048x1024xf32, #tpu.memory_space<hbm>> -> memref<64x1024xf32, #tpu.memory_space<hbm>>
      tpu.enqueue_dma source(%dma_start3A_25 : memref<64x1024xf32, #tpu.memory_space<hbm>>) target(%arg6 : memref<64x1024xf32, #tpu.memory_space<vmem>>) target_semaphore(%run_scoped3A : memref<!tpu.dma_semaphore, #tpu.memory_space<semaphore_mem>>)
      %dma_wait3A_26 = arith.constant 0 : i32
      %dma_wait3A_27 = tpu.memref_slice %arg2[%rem3A_5, %dma_wait3A_26] : memref<2048x1024xf32, #tpu.memory_space<hbm>> -> memref<64x1024xf32, #tpu.memory_space<hbm>>
      %dma_wait3A_28 = arith.constant 0 : i32
      %dma_wait3A_29 = tpu.memref_slice %arg2[%rem3A_5, %dma_wait3A_28] : memref<2048x1024xf32, #tpu.memory_space<hbm>> -> memref<64x1024xf32, #tpu.memory_space<hbm>>
      tpu.wait_dma2 semaphore(%run_scoped3A : memref<!tpu.dma_semaphore, #tpu.memory_space<semaphore_mem>>) src(%dma_wait3A_29 : memref<64x1024xf32, #tpu.memory_space<hbm>>) dst(%arg6 : memref<64x1024xf32, #tpu.memory_space<vmem>>)
      tpu.yield
    }) : () -> ()
    %dma_start3A = arith.constant 0 : i32
    %dma_start3A_6 = arith.constant 0 : i32
    %dma_start3A_7 = tpu.memref_slice %arg4[%dma_start3A, %dma_start3A_6] : memref<6144x1024xf32, #tpu.memory_space<hbm>> -> memref<6144x1024xf32, #tpu.memory_space<hbm>>
    tpu.enqueue_indirect_dma source(%arg6 : memref<64x1024xf32, #tpu.memory_space<vmem>>) target(%dma_start3A_7 : memref<6144x1024xf32, #tpu.memory_space<hbm>>) offsets(%arg5 : memref<64xi32, #tpu.memory_space<vmem>>) semaphore(%arg7 : memref<!tpu.dma_semaphore, #tpu.memory_space<semaphore_mem>>)
    %dma_wait3A = arith.constant 0 : i32
    %dma_wait3A_8 = arith.constant 0 : i32
    %dma_wait3A_9 = tpu.memref_slice %arg4[%dma_wait3A, %dma_wait3A_8] : memref<6144x1024xf32, #tpu.memory_space<hbm>> -> memref<6144x1024xf32, #tpu.memory_space<hbm>>
    tpu.wait_indirect_dma semaphore(%arg7 : memref<!tpu.dma_semaphore, #tpu.memory_space<semaphore_mem>>) src(%arg6 : memref<64x1024xf32, #tpu.memory_space<vmem>>) dst(%dma_wait3A_9 : memref<6144x1024xf32, #tpu.memory_space<hbm>>)
    %mul3A_10 = arith.constant 128 : i32
    %mul3A_11 = arith.muli %add3A, %mul3A_10 : i32
    %add3A_12 = arith.constant 64 : i32
    %add3A_13 = arith.addi %mul3A_11, %add3A_12 : i32
    %rem3A_14 = arith.constant 2048 : i32
    %rem3A_15 = arith.remsi %add3A_13, %rem3A_14 : i32
    "tpu.region"() ({
      %run_scoped3A = tpu.sem_alloc : memref<!tpu.dma_semaphore, #tpu.memory_space<semaphore_mem>>
      %dma_start3A_22 = tpu.memref_slice %arg3[%add3A_13] : memref<4096xi32, #tpu.memory_space<hbm>> -> memref<64xi32, #tpu.memory_space<hbm>>
      %dma_start3A_23 = tpu.memref_slice %arg3[%add3A_13] : memref<4096xi32, #tpu.memory_space<hbm>> -> memref<64xi32, #tpu.memory_space<hbm>>
      tpu.enqueue_dma source(%dma_start3A_23 : memref<64xi32, #tpu.memory_space<hbm>>) target(%arg5 : memref<64xi32, #tpu.memory_space<vmem>>) target_semaphore(%run_scoped3A : memref<!tpu.dma_semaphore, #tpu.memory_space<semaphore_mem>>)
      %dma_wait3A_24 = tpu.memref_slice %arg3[%add3A_13] : memref<4096xi32, #tpu.memory_space<hbm>> -> memref<64xi32, #tpu.memory_space<hbm>>
      %dma_wait3A_25 = tpu.memref_slice %arg3[%add3A_13] : memref<4096xi32, #tpu.memory_space<hbm>> -> memref<64xi32, #tpu.memory_space<hbm>>
      tpu.wait_dma2 semaphore(%run_scoped3A : memref<!tpu.dma_semaphore, #tpu.memory_space<semaphore_mem>>) src(%dma_wait3A_25 : memref<64xi32, #tpu.memory_space<hbm>>) dst(%arg5 : memref<64xi32, #tpu.memory_space<vmem>>)
      tpu.yield
    }) : () -> ()
    "tpu.region"() ({
      %run_scoped3A = tpu.sem_alloc : memref<!tpu.dma_semaphore, #tpu.memory_space<semaphore_mem>>
      %dma_start3A_22 = arith.constant 0 : i32
      %dma_start3A_23 = tpu.memref_slice %arg2[%rem3A_15, %dma_start3A_22] : memref<2048x1024xf32, #tpu.memory_space<hbm>> -> memref<64x1024xf32, #tpu.memory_space<hbm>>
      %dma_start3A_24 = arith.constant 0 : i32
      %dma_start3A_25 = tpu.memref_slice %arg2[%rem3A_15, %dma_start3A_24] : memref<2048x1024xf32, #tpu.memory_space<hbm>> -> memref<64x1024xf32, #tpu.memory_space<hbm>>
      tpu.enqueue_dma source(%dma_start3A_25 : memref<64x1024xf32, #tpu.memory_space<hbm>>) target(%arg6 : memref<64x1024xf32, #tpu.memory_space<vmem>>) target_semaphore(%run_scoped3A : memref<!tpu.dma_semaphore, #tpu.memory_space<semaphore_mem>>)
      %dma_wait3A_26 = arith.constant 0 : i32
      %dma_wait3A_27 = tpu.memref_slice %arg2[%rem3A_15, %dma_wait3A_26] : memref<2048x1024xf32, #tpu.memory_space<hbm>> -> memref<64x1024xf32, #tpu.memory_space<hbm>>
      %dma_wait3A_28 = arith.constant 0 : i32
      %dma_wait3A_29 = tpu.memref_slice %arg2[%rem3A_15, %dma_wait3A_28] : memref<2048x1024xf32, #tpu.memory_space<hbm>> -> memref<64x1024xf32, #tpu.memory_space<hbm>>
      tpu.wait_dma2 semaphore(%run_scoped3A : memref<!tpu.dma_semaphore, #tpu.memory_space<semaphore_mem>>) src(%dma_wait3A_29 : memref<64x1024xf32, #tpu.memory_space<hbm>>) dst(%arg6 : memref<64x1024xf32, #tpu.memory_space<vmem>>)
      tpu.yield
    }) : () -> ()
    %dma_start3A_16 = arith.constant 0 : i32
    %dma_start3A_17 = arith.constant 0 : i32
    %dma_start3A_18 = tpu.memref_slice %arg4[%dma_start3A_16, %dma_start3A_17] : memref<6144x1024xf32, #tpu.memory_space<hbm>> -> memref<6144x1024xf32, #tpu.memory_space<hbm>>
    tpu.enqueue_indirect_dma source(%arg6 : memref<64x1024xf32, #tpu.memory_space<vmem>>) target(%dma_start3A_18 : memref<6144x1024xf32, #tpu.memory_space<hbm>>) offsets(%arg5 : memref<64xi32, #tpu.memory_space<vmem>>) semaphore(%arg7 : memref<!tpu.dma_semaphore, #tpu.memory_space<semaphore_mem>>)
    %dma_wait3A_19 = arith.constant 0 : i32
    %dma_wait3A_20 = arith.constant 0 : i32
    %dma_wait3A_21 = tpu.memref_slice %arg4[%dma_wait3A_19, %dma_wait3A_20] : memref<6144x1024xf32, #tpu.memory_space<hbm>> -> memref<6144x1024xf32, #tpu.memory_space<hbm>>
    tpu.wait_indirect_dma semaphore(%arg7 : memref<!tpu.dma_semaphore, #tpu.memory_space<semaphore_mem>>) src(%arg6 : memref<64x1024xf32, #tpu.memory_space<vmem>>) dst(%dma_wait3A_21 : memref<6144x1024xf32, #tpu.memory_space<hbm>>)
    return
  }
}

#map = affine_map<(d0, d1) -> (0, 0)>
#map1 = affine_map<(d0, d1) -> (0)>
module attributes {stable_mosaic.version = 14 : i64} {
  func.func @_sc_gather2_body(%arg0: i32, %arg1: i32, %arg2: memref<6144x1024xf32, #tpu.memory_space<hbm>>, %arg3: memref<4096xi32, #tpu.memory_space<hbm>>, %arg4: memref<2048x1024xf32, #tpu.memory_space<hbm>>, %arg5: memref<2048x1024xf32, #tpu.memory_space<hbm>>, %arg6: memref<32xi32, #tpu.memory_space<vmem>>, %arg7: memref<32xi32, #tpu.memory_space<vmem>>, %arg8: memref<32x1024xf32, #tpu.memory_space<vmem>>, %arg9: memref<32x1024xf32, #tpu.memory_space<vmem>>, %arg10: memref<!tpu.dma_semaphore, #tpu.memory_space<semaphore_mem>>) attributes {dimension_semantics = [#tpu.dimension_semantics<core_parallel>, #tpu.dimension_semantics<subcore_parallel>], iteration_bounds = array<i64: 2, 16>, scalar_prefetch = 0 : i64, scratch_operands = 5 : i64, tpu.core_type = #tpu.core_type<sc_vector_subcore>, window_params = [{transform_indices = #map}, {transform_indices = #map1}, {transform_indices = #map}, {transform_indices = #map}]} {
    %mul3A = arith.constant 2 : i32
    %mul3A_0 = arith.muli %arg1, %mul3A : i32
    %add3A = arith.addi %mul3A_0, %arg0 : i32
    %mul3A_1 = arith.constant 64 : i32
    %mul3A_2 = arith.muli %add3A, %mul3A_1 : i32
    %add3A_3 = arith.constant 0 : i32
    %add3A_4 = arith.addi %mul3A_2, %add3A_3 : i32
    "tpu.region"() ({
      %run_scoped3A = tpu.sem_alloc : memref<!tpu.dma_semaphore, #tpu.memory_space<semaphore_mem>>
      %dma_start3A_35 = tpu.memref_slice %arg3[%add3A_4] : memref<4096xi32, #tpu.memory_space<hbm>> -> memref<32xi32, #tpu.memory_space<hbm>>
      %dma_start3A_36 = tpu.memref_slice %arg3[%add3A_4] : memref<4096xi32, #tpu.memory_space<hbm>> -> memref<32xi32, #tpu.memory_space<hbm>>
      tpu.enqueue_dma source(%dma_start3A_36 : memref<32xi32, #tpu.memory_space<hbm>>) target(%arg6 : memref<32xi32, #tpu.memory_space<vmem>>) target_semaphore(%run_scoped3A : memref<!tpu.dma_semaphore, #tpu.memory_space<semaphore_mem>>)
      %dma_wait3A_37 = tpu.memref_slice %arg3[%add3A_4] : memref<4096xi32, #tpu.memory_space<hbm>> -> memref<32xi32, #tpu.memory_space<hbm>>
      %dma_wait3A_38 = tpu.memref_slice %arg3[%add3A_4] : memref<4096xi32, #tpu.memory_space<hbm>> -> memref<32xi32, #tpu.memory_space<hbm>>
      tpu.wait_dma2 semaphore(%run_scoped3A : memref<!tpu.dma_semaphore, #tpu.memory_space<semaphore_mem>>) src(%dma_wait3A_38 : memref<32xi32, #tpu.memory_space<hbm>>) dst(%arg6 : memref<32xi32, #tpu.memory_space<vmem>>)
      tpu.yield
    }) : () -> ()
    %add3A_5 = arith.constant 2048 : i32
    %add3A_6 = arith.addi %add3A_5, %add3A_4 : i32
    "tpu.region"() ({
      %run_scoped3A = tpu.sem_alloc : memref<!tpu.dma_semaphore, #tpu.memory_space<semaphore_mem>>
      %dma_start3A_35 = tpu.memref_slice %arg3[%add3A_6] : memref<4096xi32, #tpu.memory_space<hbm>> -> memref<32xi32, #tpu.memory_space<hbm>>
      %dma_start3A_36 = tpu.memref_slice %arg3[%add3A_6] : memref<4096xi32, #tpu.memory_space<hbm>> -> memref<32xi32, #tpu.memory_space<hbm>>
      tpu.enqueue_dma source(%dma_start3A_36 : memref<32xi32, #tpu.memory_space<hbm>>) target(%arg7 : memref<32xi32, #tpu.memory_space<vmem>>) target_semaphore(%run_scoped3A : memref<!tpu.dma_semaphore, #tpu.memory_space<semaphore_mem>>)
      %dma_wait3A_37 = tpu.memref_slice %arg3[%add3A_6] : memref<4096xi32, #tpu.memory_space<hbm>> -> memref<32xi32, #tpu.memory_space<hbm>>
      %dma_wait3A_38 = tpu.memref_slice %arg3[%add3A_6] : memref<4096xi32, #tpu.memory_space<hbm>> -> memref<32xi32, #tpu.memory_space<hbm>>
      tpu.wait_dma2 semaphore(%run_scoped3A : memref<!tpu.dma_semaphore, #tpu.memory_space<semaphore_mem>>) src(%dma_wait3A_38 : memref<32xi32, #tpu.memory_space<hbm>>) dst(%arg7 : memref<32xi32, #tpu.memory_space<vmem>>)
      tpu.yield
    }) : () -> ()
    %dma_start3A = arith.constant 0 : i32
    %dma_start3A_7 = arith.constant 0 : i32
    %dma_start3A_8 = tpu.memref_slice %arg2[%dma_start3A, %dma_start3A_7] : memref<6144x1024xf32, #tpu.memory_space<hbm>> -> memref<6144x1024xf32, #tpu.memory_space<hbm>>
    tpu.enqueue_indirect_dma source(%dma_start3A_8 : memref<6144x1024xf32, #tpu.memory_space<hbm>>) target(%arg8 : memref<32x1024xf32, #tpu.memory_space<vmem>>) offsets(%arg6 : memref<32xi32, #tpu.memory_space<vmem>>) semaphore(%arg10 : memref<!tpu.dma_semaphore, #tpu.memory_space<semaphore_mem>>)
    %dma_wait3A = arith.constant 0 : i32
    %dma_wait3A_9 = arith.constant 0 : i32
    %dma_wait3A_10 = tpu.memref_slice %arg2[%dma_wait3A, %dma_wait3A_9] : memref<6144x1024xf32, #tpu.memory_space<hbm>> -> memref<6144x1024xf32, #tpu.memory_space<hbm>>
    tpu.wait_indirect_dma semaphore(%arg10 : memref<!tpu.dma_semaphore, #tpu.memory_space<semaphore_mem>>) src(%dma_wait3A_10 : memref<6144x1024xf32, #tpu.memory_space<hbm>>) dst(%arg8 : memref<32x1024xf32, #tpu.memory_space<vmem>>)
    "tpu.region"() ({
      %run_scoped3A = tpu.sem_alloc : memref<!tpu.dma_semaphore, #tpu.memory_space<semaphore_mem>>
      %dma_start3A_35 = arith.constant 0 : i32
      %dma_start3A_36 = tpu.memref_slice %arg4[%add3A_4, %dma_start3A_35] : memref<2048x1024xf32, #tpu.memory_space<hbm>> -> memref<32x1024xf32, #tpu.memory_space<hbm>>
      %dma_start3A_37 = arith.constant 0 : i32
      %dma_start3A_38 = tpu.memref_slice %arg4[%add3A_4, %dma_start3A_37] : memref<2048x1024xf32, #tpu.memory_space<hbm>> -> memref<32x1024xf32, #tpu.memory_space<hbm>>
      tpu.enqueue_dma source(%arg8 : memref<32x1024xf32, #tpu.memory_space<vmem>>) target(%dma_start3A_38 : memref<32x1024xf32, #tpu.memory_space<hbm>>) target_semaphore(%run_scoped3A : memref<!tpu.dma_semaphore, #tpu.memory_space<semaphore_mem>>)
      %dma_wait3A_39 = arith.constant 0 : i32
      %dma_wait3A_40 = tpu.memref_slice %arg4[%add3A_4, %dma_wait3A_39] : memref<2048x1024xf32, #tpu.memory_space<hbm>> -> memref<32x1024xf32, #tpu.memory_space<hbm>>
      %dma_wait3A_41 = arith.constant 0 : i32
      %dma_wait3A_42 = tpu.memref_slice %arg4[%add3A_4, %dma_wait3A_41] : memref<2048x1024xf32, #tpu.memory_space<hbm>> -> memref<32x1024xf32, #tpu.memory_space<hbm>>
      tpu.wait_dma2 semaphore(%run_scoped3A : memref<!tpu.dma_semaphore, #tpu.memory_space<semaphore_mem>>) src(%arg8 : memref<32x1024xf32, #tpu.memory_space<vmem>>) dst(%dma_wait3A_42 : memref<32x1024xf32, #tpu.memory_space<hbm>>)
      tpu.yield
    }) : () -> ()
    %dma_start3A_11 = arith.constant 0 : i32
    %dma_start3A_12 = arith.constant 0 : i32
    %dma_start3A_13 = tpu.memref_slice %arg2[%dma_start3A_11, %dma_start3A_12] : memref<6144x1024xf32, #tpu.memory_space<hbm>> -> memref<6144x1024xf32, #tpu.memory_space<hbm>>
    tpu.enqueue_indirect_dma source(%dma_start3A_13 : memref<6144x1024xf32, #tpu.memory_space<hbm>>) target(%arg9 : memref<32x1024xf32, #tpu.memory_space<vmem>>) offsets(%arg7 : memref<32xi32, #tpu.memory_space<vmem>>) semaphore(%arg10 : memref<!tpu.dma_semaphore, #tpu.memory_space<semaphore_mem>>)
    %dma_wait3A_14 = arith.constant 0 : i32
    %dma_wait3A_15 = arith.constant 0 : i32
    %dma_wait3A_16 = tpu.memref_slice %arg2[%dma_wait3A_14, %dma_wait3A_15] : memref<6144x1024xf32, #tpu.memory_space<hbm>> -> memref<6144x1024xf32, #tpu.memory_space<hbm>>
    tpu.wait_indirect_dma semaphore(%arg10 : memref<!tpu.dma_semaphore, #tpu.memory_space<semaphore_mem>>) src(%dma_wait3A_16 : memref<6144x1024xf32, #tpu.memory_space<hbm>>) dst(%arg9 : memref<32x1024xf32, #tpu.memory_space<vmem>>)
    "tpu.region"() ({
      %run_scoped3A = tpu.sem_alloc : memref<!tpu.dma_semaphore, #tpu.memory_space<semaphore_mem>>
      %dma_start3A_35 = arith.constant 0 : i32
      %dma_start3A_36 = tpu.memref_slice %arg5[%add3A_4, %dma_start3A_35] : memref<2048x1024xf32, #tpu.memory_space<hbm>> -> memref<32x1024xf32, #tpu.memory_space<hbm>>
      %dma_start3A_37 = arith.constant 0 : i32
      %dma_start3A_38 = tpu.memref_slice %arg5[%add3A_4, %dma_start3A_37] : memref<2048x1024xf32, #tpu.memory_space<hbm>> -> memref<32x1024xf32, #tpu.memory_space<hbm>>
      tpu.enqueue_dma source(%arg9 : memref<32x1024xf32, #tpu.memory_space<vmem>>) target(%dma_start3A_38 : memref<32x1024xf32, #tpu.memory_space<hbm>>) target_semaphore(%run_scoped3A : memref<!tpu.dma_semaphore, #tpu.memory_space<semaphore_mem>>)
      %dma_wait3A_39 = arith.constant 0 : i32
      %dma_wait3A_40 = tpu.memref_slice %arg5[%add3A_4, %dma_wait3A_39] : memref<2048x1024xf32, #tpu.memory_space<hbm>> -> memref<32x1024xf32, #tpu.memory_space<hbm>>
      %dma_wait3A_41 = arith.constant 0 : i32
      %dma_wait3A_42 = tpu.memref_slice %arg5[%add3A_4, %dma_wait3A_41] : memref<2048x1024xf32, #tpu.memory_space<hbm>> -> memref<32x1024xf32, #tpu.memory_space<hbm>>
      tpu.wait_dma2 semaphore(%run_scoped3A : memref<!tpu.dma_semaphore, #tpu.memory_space<semaphore_mem>>) src(%arg9 : memref<32x1024xf32, #tpu.memory_space<vmem>>) dst(%dma_wait3A_42 : memref<32x1024xf32, #tpu.memory_space<hbm>>)
      tpu.yield
    }) : () -> ()
    %mul3A_17 = arith.constant 64 : i32
    %mul3A_18 = arith.muli %add3A, %mul3A_17 : i32
    %add3A_19 = arith.constant 32 : i32
    %add3A_20 = arith.addi %mul3A_18, %add3A_19 : i32
    "tpu.region"() ({
      %run_scoped3A = tpu.sem_alloc : memref<!tpu.dma_semaphore, #tpu.memory_space<semaphore_mem>>
      %dma_start3A_35 = tpu.memref_slice %arg3[%add3A_20] : memref<4096xi32, #tpu.memory_space<hbm>> -> memref<32xi32, #tpu.memory_space<hbm>>
      %dma_start3A_36 = tpu.memref_slice %arg3[%add3A_20] : memref<4096xi32, #tpu.memory_space<hbm>> -> memref<32xi32, #tpu.memory_space<hbm>>
      tpu.enqueue_dma source(%dma_start3A_36 : memref<32xi32, #tpu.memory_space<hbm>>) target(%arg6 : memref<32xi32, #tpu.memory_space<vmem>>) target_semaphore(%run_scoped3A : memref<!tpu.dma_semaphore, #tpu.memory_space<semaphore_mem>>)
      %dma_wait3A_37 = tpu.memref_slice %arg3[%add3A_20] : memref<4096xi32, #tpu.memory_space<hbm>> -> memref<32xi32, #tpu.memory_space<hbm>>
      %dma_wait3A_38 = tpu.memref_slice %arg3[%add3A_20] : memref<4096xi32, #tpu.memory_space<hbm>> -> memref<32xi32, #tpu.memory_space<hbm>>
      tpu.wait_dma2 semaphore(%run_scoped3A : memref<!tpu.dma_semaphore, #tpu.memory_space<semaphore_mem>>) src(%dma_wait3A_38 : memref<32xi32, #tpu.memory_space<hbm>>) dst(%arg6 : memref<32xi32, #tpu.memory_space<vmem>>)
      tpu.yield
    }) : () -> ()
    %add3A_21 = arith.constant 2048 : i32
    %add3A_22 = arith.addi %add3A_21, %add3A_20 : i32
    "tpu.region"() ({
      %run_scoped3A = tpu.sem_alloc : memref<!tpu.dma_semaphore, #tpu.memory_space<semaphore_mem>>
      %dma_start3A_35 = tpu.memref_slice %arg3[%add3A_22] : memref<4096xi32, #tpu.memory_space<hbm>> -> memref<32xi32, #tpu.memory_space<hbm>>
      %dma_start3A_36 = tpu.memref_slice %arg3[%add3A_22] : memref<4096xi32, #tpu.memory_space<hbm>> -> memref<32xi32, #tpu.memory_space<hbm>>
      tpu.enqueue_dma source(%dma_start3A_36 : memref<32xi32, #tpu.memory_space<hbm>>) target(%arg7 : memref<32xi32, #tpu.memory_space<vmem>>) target_semaphore(%run_scoped3A : memref<!tpu.dma_semaphore, #tpu.memory_space<semaphore_mem>>)
      %dma_wait3A_37 = tpu.memref_slice %arg3[%add3A_22] : memref<4096xi32, #tpu.memory_space<hbm>> -> memref<32xi32, #tpu.memory_space<hbm>>
      %dma_wait3A_38 = tpu.memref_slice %arg3[%add3A_22] : memref<4096xi32, #tpu.memory_space<hbm>> -> memref<32xi32, #tpu.memory_space<hbm>>
      tpu.wait_dma2 semaphore(%run_scoped3A : memref<!tpu.dma_semaphore, #tpu.memory_space<semaphore_mem>>) src(%dma_wait3A_38 : memref<32xi32, #tpu.memory_space<hbm>>) dst(%arg7 : memref<32xi32, #tpu.memory_space<vmem>>)
      tpu.yield
    }) : () -> ()
    %dma_start3A_23 = arith.constant 0 : i32
    %dma_start3A_24 = arith.constant 0 : i32
    %dma_start3A_25 = tpu.memref_slice %arg2[%dma_start3A_23, %dma_start3A_24] : memref<6144x1024xf32, #tpu.memory_space<hbm>> -> memref<6144x1024xf32, #tpu.memory_space<hbm>>
    tpu.enqueue_indirect_dma source(%dma_start3A_25 : memref<6144x1024xf32, #tpu.memory_space<hbm>>) target(%arg8 : memref<32x1024xf32, #tpu.memory_space<vmem>>) offsets(%arg6 : memref<32xi32, #tpu.memory_space<vmem>>) semaphore(%arg10 : memref<!tpu.dma_semaphore, #tpu.memory_space<semaphore_mem>>)
    %dma_wait3A_26 = arith.constant 0 : i32
    %dma_wait3A_27 = arith.constant 0 : i32
    %dma_wait3A_28 = tpu.memref_slice %arg2[%dma_wait3A_26, %dma_wait3A_27] : memref<6144x1024xf32, #tpu.memory_space<hbm>> -> memref<6144x1024xf32, #tpu.memory_space<hbm>>
    tpu.wait_indirect_dma semaphore(%arg10 : memref<!tpu.dma_semaphore, #tpu.memory_space<semaphore_mem>>) src(%dma_wait3A_28 : memref<6144x1024xf32, #tpu.memory_space<hbm>>) dst(%arg8 : memref<32x1024xf32, #tpu.memory_space<vmem>>)
    "tpu.region"() ({
      %run_scoped3A = tpu.sem_alloc : memref<!tpu.dma_semaphore, #tpu.memory_space<semaphore_mem>>
      %dma_start3A_35 = arith.constant 0 : i32
      %dma_start3A_36 = tpu.memref_slice %arg4[%add3A_20, %dma_start3A_35] : memref<2048x1024xf32, #tpu.memory_space<hbm>> -> memref<32x1024xf32, #tpu.memory_space<hbm>>
      %dma_start3A_37 = arith.constant 0 : i32
      %dma_start3A_38 = tpu.memref_slice %arg4[%add3A_20, %dma_start3A_37] : memref<2048x1024xf32, #tpu.memory_space<hbm>> -> memref<32x1024xf32, #tpu.memory_space<hbm>>
      tpu.enqueue_dma source(%arg8 : memref<32x1024xf32, #tpu.memory_space<vmem>>) target(%dma_start3A_38 : memref<32x1024xf32, #tpu.memory_space<hbm>>) target_semaphore(%run_scoped3A : memref<!tpu.dma_semaphore, #tpu.memory_space<semaphore_mem>>)
      %dma_wait3A_39 = arith.constant 0 : i32
      %dma_wait3A_40 = tpu.memref_slice %arg4[%add3A_20, %dma_wait3A_39] : memref<2048x1024xf32, #tpu.memory_space<hbm>> -> memref<32x1024xf32, #tpu.memory_space<hbm>>
      %dma_wait3A_41 = arith.constant 0 : i32
      %dma_wait3A_42 = tpu.memref_slice %arg4[%add3A_20, %dma_wait3A_41] : memref<2048x1024xf32, #tpu.memory_space<hbm>> -> memref<32x1024xf32, #tpu.memory_space<hbm>>
      tpu.wait_dma2 semaphore(%run_scoped3A : memref<!tpu.dma_semaphore, #tpu.memory_space<semaphore_mem>>) src(%arg8 : memref<32x1024xf32, #tpu.memory_space<vmem>>) dst(%dma_wait3A_42 : memref<32x1024xf32, #tpu.memory_space<hbm>>)
      tpu.yield
    }) : () -> ()
    %dma_start3A_29 = arith.constant 0 : i32
    %dma_start3A_30 = arith.constant 0 : i32
    %dma_start3A_31 = tpu.memref_slice %arg2[%dma_start3A_29, %dma_start3A_30] : memref<6144x1024xf32, #tpu.memory_space<hbm>> -> memref<6144x1024xf32, #tpu.memory_space<hbm>>
    tpu.enqueue_indirect_dma source(%dma_start3A_31 : memref<6144x1024xf32, #tpu.memory_space<hbm>>) target(%arg9 : memref<32x1024xf32, #tpu.memory_space<vmem>>) offsets(%arg7 : memref<32xi32, #tpu.memory_space<vmem>>) semaphore(%arg10 : memref<!tpu.dma_semaphore, #tpu.memory_space<semaphore_mem>>)
    %dma_wait3A_32 = arith.constant 0 : i32
    %dma_wait3A_33 = arith.constant 0 : i32
    %dma_wait3A_34 = tpu.memref_slice %arg2[%dma_wait3A_32, %dma_wait3A_33] : memref<6144x1024xf32, #tpu.memory_space<hbm>> -> memref<6144x1024xf32, #tpu.memory_space<hbm>>
    tpu.wait_indirect_dma semaphore(%arg10 : memref<!tpu.dma_semaphore, #tpu.memory_space<semaphore_mem>>) src(%dma_wait3A_34 : memref<6144x1024xf32, #tpu.memory_space<hbm>>) dst(%arg9 : memref<32x1024xf32, #tpu.memory_space<vmem>>)
    "tpu.region"() ({
      %run_scoped3A = tpu.sem_alloc : memref<!tpu.dma_semaphore, #tpu.memory_space<semaphore_mem>>
      %dma_start3A_35 = arith.constant 0 : i32
      %dma_start3A_36 = tpu.memref_slice %arg5[%add3A_20, %dma_start3A_35] : memref<2048x1024xf32, #tpu.memory_space<hbm>> -> memref<32x1024xf32, #tpu.memory_space<hbm>>
      %dma_start3A_37 = arith.constant 0 : i32
      %dma_start3A_38 = tpu.memref_slice %arg5[%add3A_20, %dma_start3A_37] : memref<2048x1024xf32, #tpu.memory_space<hbm>> -> memref<32x1024xf32, #tpu.memory_space<hbm>>
      tpu.enqueue_dma source(%arg9 : memref<32x1024xf32, #tpu.memory_space<vmem>>) target(%dma_start3A_38 : memref<32x1024xf32, #tpu.memory_space<hbm>>) target_semaphore(%run_scoped3A : memref<!tpu.dma_semaphore, #tpu.memory_space<semaphore_mem>>)
      %dma_wait3A_39 = arith.constant 0 : i32
      %dma_wait3A_40 = tpu.memref_slice %arg5[%add3A_20, %dma_wait3A_39] : memref<2048x1024xf32, #tpu.memory_space<hbm>> -> memref<32x1024xf32, #tpu.memory_space<hbm>>
      %dma_wait3A_41 = arith.constant 0 : i32
      %dma_wait3A_42 = tpu.memref_slice %arg5[%add3A_20, %dma_wait3A_41] : memref<2048x1024xf32, #tpu.memory_space<hbm>> -> memref<32x1024xf32, #tpu.memory_space<hbm>>
      tpu.wait_dma2 semaphore(%run_scoped3A : memref<!tpu.dma_semaphore, #tpu.memory_space<semaphore_mem>>) src(%arg9 : memref<32x1024xf32, #tpu.memory_space<vmem>>) dst(%dma_wait3A_42 : memref<32x1024xf32, #tpu.memory_space<hbm>>)
      tpu.yield
    }) : () -> ()
    return
  }
}

module attributes {stable_mosaic.version = 14 : i64} {
  func.func @_router_body(%arg0: memref<2048x1024xf32, #tpu.memory_space<vmem>>, %arg1: memref<1024x128xf32, #tpu.memory_space<vmem>>, %arg2: memref<4096x1xi32, #tpu.memory_space<vmem>>, %arg3: memref<4096x1xf32, #tpu.memory_space<vmem>>, %arg4: memref<1x128xf32, #tpu.memory_space<vmem>>) attributes {dimension_semantics = [], scalar_prefetch = 0 : i64, scratch_operands = 0 : i64, tpu.core_type = #tpu.core_type<tc>} {
    %get3A = arith.constant 0 : index
    %get3A_0 = arith.constant 0 : index
    %get3A_1 = vector.load %arg0[%get3A, %get3A_0] : memref<2048x1024xf32, #tpu.memory_space<vmem>>, vector<2048x1024xf32>
    %get3A_2 = arith.constant 0 : index
    %get3A_3 = arith.constant 0 : index
    %get3A_4 = vector.load %arg1[%get3A_2, %get3A_3] : memref<1024x128xf32, #tpu.memory_space<vmem>>, vector<1024x128xf32>
    %dot_general3A = arith.constant dense<0.000000e+00> : vector<2048x128xf32>
    %dot_general3A_5 = tpu.matmul %get3A_1, %get3A_4, %dot_general3A {dimension_numbers = #tpu.dot_dimension_numbers<[1], [0], [0], [1], [0, 0, 1, 1], [], []>, transpose_lhs_hint = false} : vector<2048x1024xf32>, vector<1024x128xf32>, vector<2048x128xf32> -> vector<2048x128xf32>
    %iota3A = tpu.iota {dimensions = array<i32: 1>} : vector<2048x128xi32>
    %lt3A = arith.constant 8 : i32
    %lt3A_6 = vector.broadcast %lt3A : i32 to vector<2048x128xi32>
    %lt3A_7 = arith.cmpi slt, %iota3A, %lt3A_6 : vector<2048x128xi32>
    %jit3A = arith.constant -1.000000e+30 : f32
    %broadcast_in_dim3A = vector.broadcast %jit3A : f32 to vector<2048x128xf32>
    %select_n3A = arith.select %lt3A_7, %dot_general3A_5, %broadcast_in_dim3A : vector<2048x128xi1>, vector<2048x128xf32>
    %reduce_max3A = arith.constant dense<0xFF800000> : vector<2048xf32>
    %reduce_max3A_8 = vector.multi_reduction <maximumf>, %select_n3A, %reduce_max3A [1] : vector<2048x128xf32> to vector<2048xf32>
    %broadcast_in_dim3A_9 = vector.shape_cast %reduce_max3A_8 : vector<2048xf32> to vector<2048x1xf32>
    %eq3A = vector.broadcast %broadcast_in_dim3A_9 : vector<2048x1xf32> to vector<2048x128xf32>
    %eq3A_10 = arith.cmpf oeq, %select_n3A, %eq3A : vector<2048x128xf32>
    %jit3A_11 = arith.constant 128 : i32
    %broadcast_in_dim3A_12 = vector.broadcast %jit3A_11 : i32 to vector<2048x128xi32>
    %select_n3A_13 = arith.select %eq3A_10, %iota3A, %broadcast_in_dim3A_12 : vector<2048x128xi1>, vector<2048x128xi32>
    %reduce_min3A = arith.constant dense<2147483647> : vector<2048xi32>
    %reduce_min3A_14 = vector.multi_reduction <minsi>, %select_n3A_13, %reduce_min3A [1] : vector<2048x128xi32> to vector<2048xi32>
    %broadcast_in_dim3A_15 = vector.shape_cast %reduce_min3A_14 : vector<2048xi32> to vector<2048x1xi32>
    %eq3A_16 = vector.broadcast %broadcast_in_dim3A_15 : vector<2048x1xi32> to vector<2048x128xi32>
    %eq3A_17 = arith.cmpi eq, %iota3A, %eq3A_16 : vector<2048x128xi32>
    %jit3A_18 = arith.constant -1.000000e+30 : f32
    %broadcast_in_dim3A_19 = vector.broadcast %jit3A_18 : f32 to vector<2048x128xf32>
    %select_n3A_20 = arith.select %eq3A_17, %broadcast_in_dim3A_19, %select_n3A : vector<2048x128xi1>, vector<2048x128xf32>
    %reduce_max3A_21 = arith.constant dense<0xFF800000> : vector<2048xf32>
    %reduce_max3A_22 = vector.multi_reduction <maximumf>, %select_n3A_20, %reduce_max3A_21 [1] : vector<2048x128xf32> to vector<2048xf32>
    %broadcast_in_dim3A_23 = vector.shape_cast %reduce_max3A_22 : vector<2048xf32> to vector<2048x1xf32>
    %eq3A_24 = vector.broadcast %broadcast_in_dim3A_23 : vector<2048x1xf32> to vector<2048x128xf32>
    %eq3A_25 = arith.cmpf oeq, %select_n3A_20, %eq3A_24 : vector<2048x128xf32>
    %jit3A_26 = arith.constant 128 : i32
    %broadcast_in_dim3A_27 = vector.broadcast %jit3A_26 : i32 to vector<2048x128xi32>
    %select_n3A_28 = arith.select %eq3A_25, %iota3A, %broadcast_in_dim3A_27 : vector<2048x128xi1>, vector<2048x128xi32>
    %reduce_min3A_29 = arith.constant dense<2147483647> : vector<2048xi32>
    %reduce_min3A_30 = vector.multi_reduction <minsi>, %select_n3A_28, %reduce_min3A_29 [1] : vector<2048x128xi32> to vector<2048xi32>
    %broadcast_in_dim3A_31 = vector.shape_cast %reduce_min3A_30 : vector<2048xi32> to vector<2048x1xi32>
    %sub3A = arith.subf %broadcast_in_dim3A_23, %broadcast_in_dim3A_9 : vector<2048x1xf32>
    %exp3A = math.exp %sub3A : vector<2048x1xf32>
    %add3A = arith.constant 1.000000e+00 : f32
    %add3A_32 = vector.broadcast %add3A : f32 to vector<2048x1xf32>
    %add3A_33 = arith.addf %add3A_32, %exp3A : vector<2048x1xf32>
    %div3A = arith.constant 1.000000e+00 : f32
    %div3A_34 = vector.broadcast %div3A : f32 to vector<2048x1xf32>
    %div3A_35 = arith.divf %div3A_34, %add3A_33 : vector<2048x1xf32>
    %sub3A_36 = arith.constant 1.000000e+00 : f32
    %sub3A_37 = vector.broadcast %sub3A_36 : f32 to vector<2048x1xf32>
    %sub3A_38 = arith.subf %sub3A_37, %div3A_35 : vector<2048x1xf32>
    %iota3A_39 = tpu.iota {dimensions = array<i32: 0>} : vector<512x512xi32>
    %iota3A_40 = tpu.iota {dimensions = array<i32: 1>} : vector<512x512xi32>
    %lt3A_41 = arith.cmpi slt, %iota3A_40, %iota3A_39 : vector<512x512xi32>
    %convert_element_type3A = arith.extui %lt3A_41 : vector<512x512xi1> to vector<512x512xi32>
    %convert_element_type3A_42 = arith.sitofp %convert_element_type3A : vector<512x512xi32> to vector<512x512xf32>
    %convert_element_type3A_43 = arith.truncf %convert_element_type3A_42 : vector<512x512xf32> to vector<512x512xbf16>
    %iota3A_44 = tpu.iota {dimensions = array<i32: 1>} : vector<512x128xi32>
    %broadcast_in_dim3A_45 = arith.constant 0.000000e+00 : f32
    %broadcast_in_dim3A_46 = vector.broadcast %broadcast_in_dim3A_45 : f32 to vector<1x128xf32>
    %slice3A = vector.extract_strided_slice %broadcast_in_dim3A_15 {offsets = [0, 0], sizes = [512, 1], strides = [1, 1]} : vector<2048x1xi32> to vector<512x1xi32>
    %eq3A_47 = vector.broadcast %slice3A : vector<512x1xi32> to vector<512x128xi32>
    %eq3A_48 = arith.cmpi eq, %iota3A_44, %eq3A_47 : vector<512x128xi32>
    %convert_element_type3A_49 = arith.extui %eq3A_48 : vector<512x128xi1> to vector<512x128xi32>
    %convert_element_type3A_50 = arith.sitofp %convert_element_type3A_49 : vector<512x128xi32> to vector<512x128xf32>
    %convert_element_type3A_51 = arith.truncf %convert_element_type3A_50 : vector<512x128xf32> to vector<512x128xbf16>
    %dot_general3A_52 = arith.constant dense<0.000000e+00> : vector<512x128xf32>
    %dot_general3A_53 = tpu.matmul %convert_element_type3A_43, %convert_element_type3A_51, %dot_general3A_52 {dimension_numbers = #tpu.dot_dimension_numbers<[1], [0], [0], [1], [0, 0, 1, 1], [], []>, transpose_lhs_hint = false} : vector<512x512xbf16>, vector<512x128xbf16>, vector<512x128xf32> -> vector<512x128xf32>
    %add3A_54 = vector.broadcast %broadcast_in_dim3A_46 : vector<1x128xf32> to vector<512x128xf32>
    %add3A_55 = arith.addf %dot_general3A_53, %add3A_54 : vector<512x128xf32>
    %mul3A = arith.mulf %add3A_55, %convert_element_type3A_50 : vector<512x128xf32>
    %reduce_sum3A = arith.constant dense<0.000000e+00> : vector<512xf32>
    %reduce_sum3A_56 = vector.multi_reduction <add>, %mul3A, %reduce_sum3A [1] : vector<512x128xf32> to vector<512xf32>
    %broadcast_in_dim3A_57 = vector.shape_cast %reduce_sum3A_56 : vector<512xf32> to vector<512x1xf32>
    %reduce_sum3A_58 = arith.constant dense<0.000000e+00> : vector<128xf32>
    %reduce_sum3A_59 = vector.multi_reduction <add>, %convert_element_type3A_50, %reduce_sum3A_58 [0] : vector<512x128xf32> to vector<128xf32>
    %broadcast_in_dim3A_60 = vector.shape_cast %reduce_sum3A_59 : vector<128xf32> to vector<1x128xf32>
    %add3A_61 = arith.addf %broadcast_in_dim3A_46, %broadcast_in_dim3A_60 : vector<1x128xf32>
    %slice3A_62 = vector.extract_strided_slice %broadcast_in_dim3A_15 {offsets = [512, 0], sizes = [512, 1], strides = [1, 1]} : vector<2048x1xi32> to vector<512x1xi32>
    %eq3A_63 = vector.broadcast %slice3A_62 : vector<512x1xi32> to vector<512x128xi32>
    %eq3A_64 = arith.cmpi eq, %iota3A_44, %eq3A_63 : vector<512x128xi32>
    %convert_element_type3A_65 = arith.extui %eq3A_64 : vector<512x128xi1> to vector<512x128xi32>
    %convert_element_type3A_66 = arith.sitofp %convert_element_type3A_65 : vector<512x128xi32> to vector<512x128xf32>
    %convert_element_type3A_67 = arith.truncf %convert_element_type3A_66 : vector<512x128xf32> to vector<512x128xbf16>
    %dot_general3A_68 = arith.constant dense<0.000000e+00> : vector<512x128xf32>
    %dot_general3A_69 = tpu.matmul %convert_element_type3A_43, %convert_element_type3A_67, %dot_general3A_68 {dimension_numbers = #tpu.dot_dimension_numbers<[1], [0], [0], [1], [0, 0, 1, 1], [], []>, transpose_lhs_hint = false} : vector<512x512xbf16>, vector<512x128xbf16>, vector<512x128xf32> -> vector<512x128xf32>
    %add3A_70 = vector.broadcast %add3A_61 : vector<1x128xf32> to vector<512x128xf32>
    %add3A_71 = arith.addf %dot_general3A_69, %add3A_70 : vector<512x128xf32>
    %mul3A_72 = arith.mulf %add3A_71, %convert_element_type3A_66 : vector<512x128xf32>
    %reduce_sum3A_73 = arith.constant dense<0.000000e+00> : vector<512xf32>
    %reduce_sum3A_74 = vector.multi_reduction <add>, %mul3A_72, %reduce_sum3A_73 [1] : vector<512x128xf32> to vector<512xf32>
    %broadcast_in_dim3A_75 = vector.shape_cast %reduce_sum3A_74 : vector<512xf32> to vector<512x1xf32>
    %reduce_sum3A_76 = arith.constant dense<0.000000e+00> : vector<128xf32>
    %reduce_sum3A_77 = vector.multi_reduction <add>, %convert_element_type3A_66, %reduce_sum3A_76 [0] : vector<512x128xf32> to vector<128xf32>
    %broadcast_in_dim3A_78 = vector.shape_cast %reduce_sum3A_77 : vector<128xf32> to vector<1x128xf32>
    %add3A_79 = arith.addf %add3A_61, %broadcast_in_dim3A_78 : vector<1x128xf32>
    %slice3A_80 = vector.extract_strided_slice %broadcast_in_dim3A_15 {offsets = [1024, 0], sizes = [512, 1], strides = [1, 1]} : vector<2048x1xi32> to vector<512x1xi32>
    %eq3A_81 = vector.broadcast %slice3A_80 : vector<512x1xi32> to vector<512x128xi32>
    %eq3A_82 = arith.cmpi eq, %iota3A_44, %eq3A_81 : vector<512x128xi32>
    %convert_element_type3A_83 = arith.extui %eq3A_82 : vector<512x128xi1> to vector<512x128xi32>
    %convert_element_type3A_84 = arith.sitofp %convert_element_type3A_83 : vector<512x128xi32> to vector<512x128xf32>
    %convert_element_type3A_85 = arith.truncf %convert_element_type3A_84 : vector<512x128xf32> to vector<512x128xbf16>
    %dot_general3A_86 = arith.constant dense<0.000000e+00> : vector<512x128xf32>
    %dot_general3A_87 = tpu.matmul %convert_element_type3A_43, %convert_element_type3A_85, %dot_general3A_86 {dimension_numbers = #tpu.dot_dimension_numbers<[1], [0], [0], [1], [0, 0, 1, 1], [], []>, transpose_lhs_hint = false} : vector<512x512xbf16>, vector<512x128xbf16>, vector<512x128xf32> -> vector<512x128xf32>
    %add3A_88 = vector.broadcast %add3A_79 : vector<1x128xf32> to vector<512x128xf32>
    %add3A_89 = arith.addf %dot_general3A_87, %add3A_88 : vector<512x128xf32>
    %mul3A_90 = arith.mulf %add3A_89, %convert_element_type3A_84 : vector<512x128xf32>
    %reduce_sum3A_91 = arith.constant dense<0.000000e+00> : vector<512xf32>
    %reduce_sum3A_92 = vector.multi_reduction <add>, %mul3A_90, %reduce_sum3A_91 [1] : vector<512x128xf32> to vector<512xf32>
    %broadcast_in_dim3A_93 = vector.shape_cast %reduce_sum3A_92 : vector<512xf32> to vector<512x1xf32>
    %reduce_sum3A_94 = arith.constant dense<0.000000e+00> : vector<128xf32>
    %reduce_sum3A_95 = vector.multi_reduction <add>, %convert_element_type3A_84, %reduce_sum3A_94 [0] : vector<512x128xf32> to vector<128xf32>
    %broadcast_in_dim3A_96 = vector.shape_cast %reduce_sum3A_95 : vector<128xf32> to vector<1x128xf32>
    %add3A_97 = arith.addf %add3A_79, %broadcast_in_dim3A_96 : vector<1x128xf32>
    %slice3A_98 = vector.extract_strided_slice %broadcast_in_dim3A_15 {offsets = [1536, 0], sizes = [512, 1], strides = [1, 1]} : vector<2048x1xi32> to vector<512x1xi32>
    %eq3A_99 = vector.broadcast %slice3A_98 : vector<512x1xi32> to vector<512x128xi32>
    %eq3A_100 = arith.cmpi eq, %iota3A_44, %eq3A_99 : vector<512x128xi32>
    %convert_element_type3A_101 = arith.extui %eq3A_100 : vector<512x128xi1> to vector<512x128xi32>
    %convert_element_type3A_102 = arith.sitofp %convert_element_type3A_101 : vector<512x128xi32> to vector<512x128xf32>
    %convert_element_type3A_103 = arith.truncf %convert_element_type3A_102 : vector<512x128xf32> to vector<512x128xbf16>
    %dot_general3A_104 = arith.constant dense<0.000000e+00> : vector<512x128xf32>
    %dot_general3A_105 = tpu.matmul %convert_element_type3A_43, %convert_element_type3A_103, %dot_general3A_104 {dimension_numbers = #tpu.dot_dimension_numbers<[1], [0], [0], [1], [0, 0, 1, 1], [], []>, transpose_lhs_hint = false} : vector<512x512xbf16>, vector<512x128xbf16>, vector<512x128xf32> -> vector<512x128xf32>
    %add3A_106 = vector.broadcast %add3A_97 : vector<1x128xf32> to vector<512x128xf32>
    %add3A_107 = arith.addf %dot_general3A_105, %add3A_106 : vector<512x128xf32>
    %mul3A_108 = arith.mulf %add3A_107, %convert_element_type3A_102 : vector<512x128xf32>
    %reduce_sum3A_109 = arith.constant dense<0.000000e+00> : vector<512xf32>
    %reduce_sum3A_110 = vector.multi_reduction <add>, %mul3A_108, %reduce_sum3A_109 [1] : vector<512x128xf32> to vector<512xf32>
    %broadcast_in_dim3A_111 = vector.shape_cast %reduce_sum3A_110 : vector<512xf32> to vector<512x1xf32>
    %reduce_sum3A_112 = arith.constant dense<0.000000e+00> : vector<128xf32>
    %reduce_sum3A_113 = vector.multi_reduction <add>, %convert_element_type3A_102, %reduce_sum3A_112 [0] : vector<512x128xf32> to vector<128xf32>
    %broadcast_in_dim3A_114 = vector.shape_cast %reduce_sum3A_113 : vector<128xf32> to vector<1x128xf32>
    %add3A_115 = arith.addf %add3A_97, %broadcast_in_dim3A_114 : vector<1x128xf32>
    %slice3A_116 = vector.extract_strided_slice %broadcast_in_dim3A_31 {offsets = [0, 0], sizes = [512, 1], strides = [1, 1]} : vector<2048x1xi32> to vector<512x1xi32>
    %eq3A_117 = vector.broadcast %slice3A_116 : vector<512x1xi32> to vector<512x128xi32>
    %eq3A_118 = arith.cmpi eq, %iota3A_44, %eq3A_117 : vector<512x128xi32>
    %convert_element_type3A_119 = arith.extui %eq3A_118 : vector<512x128xi1> to vector<512x128xi32>
    %convert_element_type3A_120 = arith.sitofp %convert_element_type3A_119 : vector<512x128xi32> to vector<512x128xf32>
    %convert_element_type3A_121 = arith.truncf %convert_element_type3A_120 : vector<512x128xf32> to vector<512x128xbf16>
    %dot_general3A_122 = arith.constant dense<0.000000e+00> : vector<512x128xf32>
    %dot_general3A_123 = tpu.matmul %convert_element_type3A_43, %convert_element_type3A_121, %dot_general3A_122 {dimension_numbers = #tpu.dot_dimension_numbers<[1], [0], [0], [1], [0, 0, 1, 1], [], []>, transpose_lhs_hint = false} : vector<512x512xbf16>, vector<512x128xbf16>, vector<512x128xf32> -> vector<512x128xf32>
    %add3A_124 = vector.broadcast %add3A_115 : vector<1x128xf32> to vector<512x128xf32>
    %add3A_125 = arith.addf %dot_general3A_123, %add3A_124 : vector<512x128xf32>
    %mul3A_126 = arith.mulf %add3A_125, %convert_element_type3A_120 : vector<512x128xf32>
    %reduce_sum3A_127 = arith.constant dense<0.000000e+00> : vector<512xf32>
    %reduce_sum3A_128 = vector.multi_reduction <add>, %mul3A_126, %reduce_sum3A_127 [1] : vector<512x128xf32> to vector<512xf32>
    %broadcast_in_dim3A_129 = vector.shape_cast %reduce_sum3A_128 : vector<512xf32> to vector<512x1xf32>
    %reduce_sum3A_130 = arith.constant dense<0.000000e+00> : vector<128xf32>
    %reduce_sum3A_131 = vector.multi_reduction <add>, %convert_element_type3A_120, %reduce_sum3A_130 [0] : vector<512x128xf32> to vector<128xf32>
    %broadcast_in_dim3A_132 = vector.shape_cast %reduce_sum3A_131 : vector<128xf32> to vector<1x128xf32>
    %add3A_133 = arith.addf %add3A_115, %broadcast_in_dim3A_132 : vector<1x128xf32>
    %slice3A_134 = vector.extract_strided_slice %broadcast_in_dim3A_31 {offsets = [512, 0], sizes = [512, 1], strides = [1, 1]} : vector<2048x1xi32> to vector<512x1xi32>
    %eq3A_135 = vector.broadcast %slice3A_134 : vector<512x1xi32> to vector<512x128xi32>
    %eq3A_136 = arith.cmpi eq, %iota3A_44, %eq3A_135 : vector<512x128xi32>
    %convert_element_type3A_137 = arith.extui %eq3A_136 : vector<512x128xi1> to vector<512x128xi32>
    %convert_element_type3A_138 = arith.sitofp %convert_element_type3A_137 : vector<512x128xi32> to vector<512x128xf32>
    %convert_element_type3A_139 = arith.truncf %convert_element_type3A_138 : vector<512x128xf32> to vector<512x128xbf16>
    %dot_general3A_140 = arith.constant dense<0.000000e+00> : vector<512x128xf32>
    %dot_general3A_141 = tpu.matmul %convert_element_type3A_43, %convert_element_type3A_139, %dot_general3A_140 {dimension_numbers = #tpu.dot_dimension_numbers<[1], [0], [0], [1], [0, 0, 1, 1], [], []>, transpose_lhs_hint = false} : vector<512x512xbf16>, vector<512x128xbf16>, vector<512x128xf32> -> vector<512x128xf32>
    %add3A_142 = vector.broadcast %add3A_133 : vector<1x128xf32> to vector<512x128xf32>
    %add3A_143 = arith.addf %dot_general3A_141, %add3A_142 : vector<512x128xf32>
    %mul3A_144 = arith.mulf %add3A_143, %convert_element_type3A_138 : vector<512x128xf32>
    %reduce_sum3A_145 = arith.constant dense<0.000000e+00> : vector<512xf32>
    %reduce_sum3A_146 = vector.multi_reduction <add>, %mul3A_144, %reduce_sum3A_145 [1] : vector<512x128xf32> to vector<512xf32>
    %broadcast_in_dim3A_147 = vector.shape_cast %reduce_sum3A_146 : vector<512xf32> to vector<512x1xf32>
    %reduce_sum3A_148 = arith.constant dense<0.000000e+00> : vector<128xf32>
    %reduce_sum3A_149 = vector.multi_reduction <add>, %convert_element_type3A_138, %reduce_sum3A_148 [0] : vector<512x128xf32> to vector<128xf32>
    %broadcast_in_dim3A_150 = vector.shape_cast %reduce_sum3A_149 : vector<128xf32> to vector<1x128xf32>
    %add3A_151 = arith.addf %add3A_133, %broadcast_in_dim3A_150 : vector<1x128xf32>
    %slice3A_152 = vector.extract_strided_slice %broadcast_in_dim3A_31 {offsets = [1024, 0], sizes = [512, 1], strides = [1, 1]} : vector<2048x1xi32> to vector<512x1xi32>
    %eq3A_153 = vector.broadcast %slice3A_152 : vector<512x1xi32> to vector<512x128xi32>
    %eq3A_154 = arith.cmpi eq, %iota3A_44, %eq3A_153 : vector<512x128xi32>
    %convert_element_type3A_155 = arith.extui %eq3A_154 : vector<512x128xi1> to vector<512x128xi32>
    %convert_element_type3A_156 = arith.sitofp %convert_element_type3A_155 : vector<512x128xi32> to vector<512x128xf32>
    %convert_element_type3A_157 = arith.truncf %convert_element_type3A_156 : vector<512x128xf32> to vector<512x128xbf16>
    %dot_general3A_158 = arith.constant dense<0.000000e+00> : vector<512x128xf32>
    %dot_general3A_159 = tpu.matmul %convert_element_type3A_43, %convert_element_type3A_157, %dot_general3A_158 {dimension_numbers = #tpu.dot_dimension_numbers<[1], [0], [0], [1], [0, 0, 1, 1], [], []>, transpose_lhs_hint = false} : vector<512x512xbf16>, vector<512x128xbf16>, vector<512x128xf32> -> vector<512x128xf32>
    %add3A_160 = vector.broadcast %add3A_151 : vector<1x128xf32> to vector<512x128xf32>
    %add3A_161 = arith.addf %dot_general3A_159, %add3A_160 : vector<512x128xf32>
    %mul3A_162 = arith.mulf %add3A_161, %convert_element_type3A_156 : vector<512x128xf32>
    %reduce_sum3A_163 = arith.constant dense<0.000000e+00> : vector<512xf32>
    %reduce_sum3A_164 = vector.multi_reduction <add>, %mul3A_162, %reduce_sum3A_163 [1] : vector<512x128xf32> to vector<512xf32>
    %broadcast_in_dim3A_165 = vector.shape_cast %reduce_sum3A_164 : vector<512xf32> to vector<512x1xf32>
    %reduce_sum3A_166 = arith.constant dense<0.000000e+00> : vector<128xf32>
    %reduce_sum3A_167 = vector.multi_reduction <add>, %convert_element_type3A_156, %reduce_sum3A_166 [0] : vector<512x128xf32> to vector<128xf32>
    %broadcast_in_dim3A_168 = vector.shape_cast %reduce_sum3A_167 : vector<128xf32> to vector<1x128xf32>
    %add3A_169 = arith.addf %add3A_151, %broadcast_in_dim3A_168 : vector<1x128xf32>
    %slice3A_170 = vector.extract_strided_slice %broadcast_in_dim3A_31 {offsets = [1536, 0], sizes = [512, 1], strides = [1, 1]} : vector<2048x1xi32> to vector<512x1xi32>
    %eq3A_171 = vector.broadcast %slice3A_170 : vector<512x1xi32> to vector<512x128xi32>
    %eq3A_172 = arith.cmpi eq, %iota3A_44, %eq3A_171 : vector<512x128xi32>
    %convert_element_type3A_173 = arith.extui %eq3A_172 : vector<512x128xi1> to vector<512x128xi32>
    %convert_element_type3A_174 = arith.sitofp %convert_element_type3A_173 : vector<512x128xi32> to vector<512x128xf32>
    %convert_element_type3A_175 = arith.truncf %convert_element_type3A_174 : vector<512x128xf32> to vector<512x128xbf16>
    %dot_general3A_176 = arith.constant dense<0.000000e+00> : vector<512x128xf32>
    %dot_general3A_177 = tpu.matmul %convert_element_type3A_43, %convert_element_type3A_175, %dot_general3A_176 {dimension_numbers = #tpu.dot_dimension_numbers<[1], [0], [0], [1], [0, 0, 1, 1], [], []>, transpose_lhs_hint = false} : vector<512x512xbf16>, vector<512x128xbf16>, vector<512x128xf32> -> vector<512x128xf32>
    %add3A_178 = vector.broadcast %add3A_169 : vector<1x128xf32> to vector<512x128xf32>
    %add3A_179 = arith.addf %dot_general3A_177, %add3A_178 : vector<512x128xf32>
    %mul3A_180 = arith.mulf %add3A_179, %convert_element_type3A_174 : vector<512x128xf32>
    %reduce_sum3A_181 = arith.constant dense<0.000000e+00> : vector<512xf32>
    %reduce_sum3A_182 = vector.multi_reduction <add>, %mul3A_180, %reduce_sum3A_181 [1] : vector<512x128xf32> to vector<512xf32>
    %broadcast_in_dim3A_183 = vector.shape_cast %reduce_sum3A_182 : vector<512xf32> to vector<512x1xf32>
    %reduce_sum3A_184 = arith.constant dense<0.000000e+00> : vector<128xf32>
    %reduce_sum3A_185 = vector.multi_reduction <add>, %convert_element_type3A_174, %reduce_sum3A_184 [0] : vector<512x128xf32> to vector<128xf32>
    %broadcast_in_dim3A_186 = vector.shape_cast %reduce_sum3A_185 : vector<128xf32> to vector<1x128xf32>
    %add3A_187 = arith.addf %add3A_169, %broadcast_in_dim3A_186 : vector<1x128xf32>
    %swap3A = arith.constant 0 : index
    %swap3A_188 = arith.constant 0 : index
    %swap3A_189 = vector.load %arg4[%swap3A, %swap3A_188] : memref<1x128xf32, #tpu.memory_space<vmem>>, vector<1x128xf32>
    tpu.vector_store %arg4[%swap3A, %swap3A_188], %add3A_187 {strides = array<i32>} : memref<1x128xf32, #tpu.memory_space<vmem>>, vector<1x128xf32>,
    %div3A_190 = arith.constant 2.560000e+02 : f32
    %div3A_191 = vector.broadcast %div3A_190 : f32 to vector<1x128xf32>
    %div3A_192 = arith.divf %add3A_187, %div3A_191 : vector<1x128xf32>
    %ceil3A = math.ceil %div3A_192 : vector<1x128xf32>
    %iota3A_193 = tpu.iota {dimensions = array<i32: 1>} : vector<1x128xi32>
    %broadcast_in_dim3A_194 = arith.constant 0.000000e+00 : f32
    %broadcast_in_dim3A_195 = vector.broadcast %broadcast_in_dim3A_194 : f32 to vector<1x128xf32>
    %lt3A_196 = arith.constant 0 : i32
    %lt3A_197 = vector.broadcast %lt3A_196 : i32 to vector<1x128xi32>
    %lt3A_198 = arith.cmpi slt, %iota3A_193, %lt3A_197 : vector<1x128xi32>
    %jit3A_199 = arith.constant 0.000000e+00 : f32
    %broadcast_in_dim3A_200 = vector.broadcast %jit3A_199 : f32 to vector<1x128xf32>
    %select_n3A_201 = arith.select %lt3A_198, %ceil3A, %broadcast_in_dim3A_200 : vector<1x128xi1>, vector<1x128xf32>
    %reduce_sum3A_202 = arith.constant dense<0.000000e+00> : vector<1xf32>
    %reduce_sum3A_203 = vector.multi_reduction <add>, %select_n3A_201, %reduce_sum3A_202 [1] : vector<1x128xf32> to vector<1xf32>
    %broadcast_in_dim3A_204 = vector.shape_cast %reduce_sum3A_203 : vector<1xf32> to vector<1x1xf32>
    %eq3A_205 = arith.constant 0 : i32
    %eq3A_206 = vector.broadcast %eq3A_205 : i32 to vector<1x128xi32>
    %eq3A_207 = arith.cmpi eq, %iota3A_193, %eq3A_206 : vector<1x128xi32>
    %jit3A_208 = arith.constant 0.000000e+00 : f32
    %broadcast_in_dim3A_209 = vector.shape_cast %broadcast_in_dim3A_204 : vector<1x1xf32> to vector<1x1xf32>
    %broadcast_in_dim3A_210 = vector.broadcast %broadcast_in_dim3A_209 : vector<1x1xf32> to vector<1x128xf32>
    %broadcast_in_dim3A_211 = vector.broadcast %jit3A_208 : f32 to vector<1x128xf32>
    %select_n3A_212 = arith.select %eq3A_207, %broadcast_in_dim3A_210, %broadcast_in_dim3A_211 : vector<1x128xi1>, vector<1x128xf32>
    %add3A_213 = arith.addf %broadcast_in_dim3A_195, %select_n3A_212 : vector<1x128xf32>
    %lt3A_214 = arith.constant 1 : i32
    %lt3A_215 = vector.broadcast %lt3A_214 : i32 to vector<1x128xi32>
    %lt3A_216 = arith.cmpi slt, %iota3A_193, %lt3A_215 : vector<1x128xi32>
    %jit3A_217 = arith.constant 0.000000e+00 : f32
    %broadcast_in_dim3A_218 = vector.broadcast %jit3A_217 : f32 to vector<1x128xf32>
    %select_n3A_219 = arith.select %lt3A_216, %ceil3A, %broadcast_in_dim3A_218 : vector<1x128xi1>, vector<1x128xf32>
    %reduce_sum3A_220 = arith.constant dense<0.000000e+00> : vector<1xf32>
    %reduce_sum3A_221 = vector.multi_reduction <add>, %select_n3A_219, %reduce_sum3A_220 [1] : vector<1x128xf32> to vector<1xf32>
    %broadcast_in_dim3A_222 = vector.shape_cast %reduce_sum3A_221 : vector<1xf32> to vector<1x1xf32>
    %eq3A_223 = arith.constant 1 : i32
    %eq3A_224 = vector.broadcast %eq3A_223 : i32 to vector<1x128xi32>
    %eq3A_225 = arith.cmpi eq, %iota3A_193, %eq3A_224 : vector<1x128xi32>
    %jit3A_226 = arith.constant 0.000000e+00 : f32
    %broadcast_in_dim3A_227 = vector.shape_cast %broadcast_in_dim3A_222 : vector<1x1xf32> to vector<1x1xf32>
    %broadcast_in_dim3A_228 = vector.broadcast %broadcast_in_dim3A_227 : vector<1x1xf32> to vector<1x128xf32>
    %broadcast_in_dim3A_229 = vector.broadcast %jit3A_226 : f32 to vector<1x128xf32>
    %select_n3A_230 = arith.select %eq3A_225, %broadcast_in_dim3A_228, %broadcast_in_dim3A_229 : vector<1x128xi1>, vector<1x128xf32>
    %add3A_231 = arith.addf %add3A_213, %select_n3A_230 : vector<1x128xf32>
    %lt3A_232 = arith.constant 2 : i32
    %lt3A_233 = vector.broadcast %lt3A_232 : i32 to vector<1x128xi32>
    %lt3A_234 = arith.cmpi slt, %iota3A_193, %lt3A_233 : vector<1x128xi32>
    %jit3A_235 = arith.constant 0.000000e+00 : f32
    %broadcast_in_dim3A_236 = vector.broadcast %jit3A_235 : f32 to vector<1x128xf32>
    %select_n3A_237 = arith.select %lt3A_234, %ceil3A, %broadcast_in_dim3A_236 : vector<1x128xi1>, vector<1x128xf32>
    %reduce_sum3A_238 = arith.constant dense<0.000000e+00> : vector<1xf32>
    %reduce_sum3A_239 = vector.multi_reduction <add>, %select_n3A_237, %reduce_sum3A_238 [1] : vector<1x128xf32> to vector<1xf32>
    %broadcast_in_dim3A_240 = vector.shape_cast %reduce_sum3A_239 : vector<1xf32> to vector<1x1xf32>
    %eq3A_241 = arith.constant 2 : i32
    %eq3A_242 = vector.broadcast %eq3A_241 : i32 to vector<1x128xi32>
    %eq3A_243 = arith.cmpi eq, %iota3A_193, %eq3A_242 : vector<1x128xi32>
    %jit3A_244 = arith.constant 0.000000e+00 : f32
    %broadcast_in_dim3A_245 = vector.shape_cast %broadcast_in_dim3A_240 : vector<1x1xf32> to vector<1x1xf32>
    %broadcast_in_dim3A_246 = vector.broadcast %broadcast_in_dim3A_245 : vector<1x1xf32> to vector<1x128xf32>
    %broadcast_in_dim3A_247 = vector.broadcast %jit3A_244 : f32 to vector<1x128xf32>
    %select_n3A_248 = arith.select %eq3A_243, %broadcast_in_dim3A_246, %broadcast_in_dim3A_247 : vector<1x128xi1>, vector<1x128xf32>
    %add3A_249 = arith.addf %add3A_231, %select_n3A_248 : vector<1x128xf32>
    %lt3A_250 = arith.constant 3 : i32
    %lt3A_251 = vector.broadcast %lt3A_250 : i32 to vector<1x128xi32>
    %lt3A_252 = arith.cmpi slt, %iota3A_193, %lt3A_251 : vector<1x128xi32>
    %jit3A_253 = arith.constant 0.000000e+00 : f32
    %broadcast_in_dim3A_254 = vector.broadcast %jit3A_253 : f32 to vector<1x128xf32>
    %select_n3A_255 = arith.select %lt3A_252, %ceil3A, %broadcast_in_dim3A_254 : vector<1x128xi1>, vector<1x128xf32>
    %reduce_sum3A_256 = arith.constant dense<0.000000e+00> : vector<1xf32>
    %reduce_sum3A_257 = vector.multi_reduction <add>, %select_n3A_255, %reduce_sum3A_256 [1] : vector<1x128xf32> to vector<1xf32>
    %broadcast_in_dim3A_258 = vector.shape_cast %reduce_sum3A_257 : vector<1xf32> to vector<1x1xf32>
    %eq3A_259 = arith.constant 3 : i32
    %eq3A_260 = vector.broadcast %eq3A_259 : i32 to vector<1x128xi32>
    %eq3A_261 = arith.cmpi eq, %iota3A_193, %eq3A_260 : vector<1x128xi32>
    %jit3A_262 = arith.constant 0.000000e+00 : f32
    %broadcast_in_dim3A_263 = vector.shape_cast %broadcast_in_dim3A_258 : vector<1x1xf32> to vector<1x1xf32>
    %broadcast_in_dim3A_264 = vector.broadcast %broadcast_in_dim3A_263 : vector<1x1xf32> to vector<1x128xf32>
    %broadcast_in_dim3A_265 = vector.broadcast %jit3A_262 : f32 to vector<1x128xf32>
    %select_n3A_266 = arith.select %eq3A_261, %broadcast_in_dim3A_264, %broadcast_in_dim3A_265 : vector<1x128xi1>, vector<1x128xf32>
    %add3A_267 = arith.addf %add3A_249, %select_n3A_266 : vector<1x128xf32>
    %lt3A_268 = arith.constant 4 : i32
    %lt3A_269 = vector.broadcast %lt3A_268 : i32 to vector<1x128xi32>
    %lt3A_270 = arith.cmpi slt, %iota3A_193, %lt3A_269 : vector<1x128xi32>
    %jit3A_271 = arith.constant 0.000000e+00 : f32
    %broadcast_in_dim3A_272 = vector.broadcast %jit3A_271 : f32 to vector<1x128xf32>
    %select_n3A_273 = arith.select %lt3A_270, %ceil3A, %broadcast_in_dim3A_272 : vector<1x128xi1>, vector<1x128xf32>
    %reduce_sum3A_274 = arith.constant dense<0.000000e+00> : vector<1xf32>
    %reduce_sum3A_275 = vector.multi_reduction <add>, %select_n3A_273, %reduce_sum3A_274 [1] : vector<1x128xf32> to vector<1xf32>
    %broadcast_in_dim3A_276 = vector.shape_cast %reduce_sum3A_275 : vector<1xf32> to vector<1x1xf32>
    %eq3A_277 = arith.constant 4 : i32
    %eq3A_278 = vector.broadcast %eq3A_277 : i32 to vector<1x128xi32>
    %eq3A_279 = arith.cmpi eq, %iota3A_193, %eq3A_278 : vector<1x128xi32>
    %jit3A_280 = arith.constant 0.000000e+00 : f32
    %broadcast_in_dim3A_281 = vector.shape_cast %broadcast_in_dim3A_276 : vector<1x1xf32> to vector<1x1xf32>
    %broadcast_in_dim3A_282 = vector.broadcast %broadcast_in_dim3A_281 : vector<1x1xf32> to vector<1x128xf32>
    %broadcast_in_dim3A_283 = vector.broadcast %jit3A_280 : f32 to vector<1x128xf32>
    %select_n3A_284 = arith.select %eq3A_279, %broadcast_in_dim3A_282, %broadcast_in_dim3A_283 : vector<1x128xi1>, vector<1x128xf32>
    %add3A_285 = arith.addf %add3A_267, %select_n3A_284 : vector<1x128xf32>
    %lt3A_286 = arith.constant 5 : i32
    %lt3A_287 = vector.broadcast %lt3A_286 : i32 to vector<1x128xi32>
    %lt3A_288 = arith.cmpi slt, %iota3A_193, %lt3A_287 : vector<1x128xi32>
    %jit3A_289 = arith.constant 0.000000e+00 : f32
    %broadcast_in_dim3A_290 = vector.broadcast %jit3A_289 : f32 to vector<1x128xf32>
    %select_n3A_291 = arith.select %lt3A_288, %ceil3A, %broadcast_in_dim3A_290 : vector<1x128xi1>, vector<1x128xf32>
    %reduce_sum3A_292 = arith.constant dense<0.000000e+00> : vector<1xf32>
    %reduce_sum3A_293 = vector.multi_reduction <add>, %select_n3A_291, %reduce_sum3A_292 [1] : vector<1x128xf32> to vector<1xf32>
    %broadcast_in_dim3A_294 = vector.shape_cast %reduce_sum3A_293 : vector<1xf32> to vector<1x1xf32>
    %eq3A_295 = arith.constant 5 : i32
    %eq3A_296 = vector.broadcast %eq3A_295 : i32 to vector<1x128xi32>
    %eq3A_297 = arith.cmpi eq, %iota3A_193, %eq3A_296 : vector<1x128xi32>
    %jit3A_298 = arith.constant 0.000000e+00 : f32
    %broadcast_in_dim3A_299 = vector.shape_cast %broadcast_in_dim3A_294 : vector<1x1xf32> to vector<1x1xf32>
    %broadcast_in_dim3A_300 = vector.broadcast %broadcast_in_dim3A_299 : vector<1x1xf32> to vector<1x128xf32>
    %broadcast_in_dim3A_301 = vector.broadcast %jit3A_298 : f32 to vector<1x128xf32>
    %select_n3A_302 = arith.select %eq3A_297, %broadcast_in_dim3A_300, %broadcast_in_dim3A_301 : vector<1x128xi1>, vector<1x128xf32>
    %add3A_303 = arith.addf %add3A_285, %select_n3A_302 : vector<1x128xf32>
    %lt3A_304 = arith.constant 6 : i32
    %lt3A_305 = vector.broadcast %lt3A_304 : i32 to vector<1x128xi32>
    %lt3A_306 = arith.cmpi slt, %iota3A_193, %lt3A_305 : vector<1x128xi32>
    %jit3A_307 = arith.constant 0.000000e+00 : f32
    %broadcast_in_dim3A_308 = vector.broadcast %jit3A_307 : f32 to vector<1x128xf32>
    %select_n3A_309 = arith.select %lt3A_306, %ceil3A, %broadcast_in_dim3A_308 : vector<1x128xi1>, vector<1x128xf32>
    %reduce_sum3A_310 = arith.constant dense<0.000000e+00> : vector<1xf32>
    %reduce_sum3A_311 = vector.multi_reduction <add>, %select_n3A_309, %reduce_sum3A_310 [1] : vector<1x128xf32> to vector<1xf32>
    %broadcast_in_dim3A_312 = vector.shape_cast %reduce_sum3A_311 : vector<1xf32> to vector<1x1xf32>
    %eq3A_313 = arith.constant 6 : i32
    %eq3A_314 = vector.broadcast %eq3A_313 : i32 to vector<1x128xi32>
    %eq3A_315 = arith.cmpi eq, %iota3A_193, %eq3A_314 : vector<1x128xi32>
    %jit3A_316 = arith.constant 0.000000e+00 : f32
    %broadcast_in_dim3A_317 = vector.shape_cast %broadcast_in_dim3A_312 : vector<1x1xf32> to vector<1x1xf32>
    %broadcast_in_dim3A_318 = vector.broadcast %broadcast_in_dim3A_317 : vector<1x1xf32> to vector<1x128xf32>
    %broadcast_in_dim3A_319 = vector.broadcast %jit3A_316 : f32 to vector<1x128xf32>
    %select_n3A_320 = arith.select %eq3A_315, %broadcast_in_dim3A_318, %broadcast_in_dim3A_319 : vector<1x128xi1>, vector<1x128xf32>
    %add3A_321 = arith.addf %add3A_303, %select_n3A_320 : vector<1x128xf32>
    %lt3A_322 = arith.constant 7 : i32
    %lt3A_323 = vector.broadcast %lt3A_322 : i32 to vector<1x128xi32>
    %lt3A_324 = arith.cmpi slt, %iota3A_193, %lt3A_323 : vector<1x128xi32>
    %jit3A_325 = arith.constant 0.000000e+00 : f32
    %broadcast_in_dim3A_326 = vector.broadcast %jit3A_325 : f32 to vector<1x128xf32>
    %select_n3A_327 = arith.select %lt3A_324, %ceil3A, %broadcast_in_dim3A_326 : vector<1x128xi1>, vector<1x128xf32>
    %reduce_sum3A_328 = arith.constant dense<0.000000e+00> : vector<1xf32>
    %reduce_sum3A_329 = vector.multi_reduction <add>, %select_n3A_327, %reduce_sum3A_328 [1] : vector<1x128xf32> to vector<1xf32>
    %broadcast_in_dim3A_330 = vector.shape_cast %reduce_sum3A_329 : vector<1xf32> to vector<1x1xf32>
    %eq3A_331 = arith.constant 7 : i32
    %eq3A_332 = vector.broadcast %eq3A_331 : i32 to vector<1x128xi32>
    %eq3A_333 = arith.cmpi eq, %iota3A_193, %eq3A_332 : vector<1x128xi32>
    %jit3A_334 = arith.constant 0.000000e+00 : f32
    %broadcast_in_dim3A_335 = vector.shape_cast %broadcast_in_dim3A_330 : vector<1x1xf32> to vector<1x1xf32>
    %broadcast_in_dim3A_336 = vector.broadcast %broadcast_in_dim3A_335 : vector<1x1xf32> to vector<1x128xf32>
    %broadcast_in_dim3A_337 = vector.broadcast %jit3A_334 : f32 to vector<1x128xf32>
    %select_n3A_338 = arith.select %eq3A_333, %broadcast_in_dim3A_336, %broadcast_in_dim3A_337 : vector<1x128xi1>, vector<1x128xf32>
    %add3A_339 = arith.addf %add3A_321, %select_n3A_338 : vector<1x128xf32>
    %mul3A_340 = arith.constant 2.560000e+02 : f32
    %mul3A_341 = vector.broadcast %mul3A_340 : f32 to vector<1x128xf32>
    %mul3A_342 = arith.mulf %add3A_339, %mul3A_341 : vector<1x128xf32>
    %mul3A_343 = vector.broadcast %mul3A_342 : vector<1x128xf32> to vector<512x128xf32>
    %mul3A_344 = arith.mulf %convert_element_type3A_50, %mul3A_343 : vector<512x128xf32>
    %reduce_sum3A_345 = arith.constant dense<0.000000e+00> : vector<512xf32>
    %reduce_sum3A_346 = vector.multi_reduction <add>, %mul3A_344, %reduce_sum3A_345 [1] : vector<512x128xf32> to vector<512xf32>
    %broadcast_in_dim3A_347 = vector.shape_cast %reduce_sum3A_346 : vector<512xf32> to vector<512x1xf32>
    %add3A_348 = arith.addf %broadcast_in_dim3A_347, %broadcast_in_dim3A_57 : vector<512x1xf32>
    %convert_element_type3A_349 = arith.fptosi %add3A_348 : vector<512x1xf32> to vector<512x1xi32>
    %swap3A_350 = arith.constant 0 : index
    %swap3A_351 = arith.constant 0 : index
    %swap3A_352 = vector.load %arg2[%swap3A_350, %swap3A_351] : memref<4096x1xi32, #tpu.memory_space<vmem>>, vector<512x1xi32>
    tpu.vector_store %arg2[%swap3A_350, %swap3A_351], %convert_element_type3A_349 {strides = array<i32>} : memref<4096x1xi32, #tpu.memory_space<vmem>>, vector<512x1xi32>,
    %slice3A_353 = vector.extract_strided_slice %div3A_35 {offsets = [0, 0], sizes = [512, 1], strides = [1, 1]} : vector<2048x1xf32> to vector<512x1xf32>
    %swap3A_354 = arith.constant 0 : index
    %swap3A_355 = arith.constant 0 : index
    %swap3A_356 = vector.load %arg3[%swap3A_354, %swap3A_355] : memref<4096x1xf32, #tpu.memory_space<vmem>>, vector<512x1xf32>
    tpu.vector_store %arg3[%swap3A_354, %swap3A_355], %slice3A_353 {strides = array<i32>} : memref<4096x1xf32, #tpu.memory_space<vmem>>, vector<512x1xf32>,
    %mul3A_357 = vector.broadcast %mul3A_342 : vector<1x128xf32> to vector<512x128xf32>
    %mul3A_358 = arith.mulf %convert_element_type3A_66, %mul3A_357 : vector<512x128xf32>
    %reduce_sum3A_359 = arith.constant dense<0.000000e+00> : vector<512xf32>
    %reduce_sum3A_360 = vector.multi_reduction <add>, %mul3A_358, %reduce_sum3A_359 [1] : vector<512x128xf32> to vector<512xf32>
    %broadcast_in_dim3A_361 = vector.shape_cast %reduce_sum3A_360 : vector<512xf32> to vector<512x1xf32>
    %add3A_362 = arith.addf %broadcast_in_dim3A_361, %broadcast_in_dim3A_75 : vector<512x1xf32>
    %convert_element_type3A_363 = arith.fptosi %add3A_362 : vector<512x1xf32> to vector<512x1xi32>
    %swap3A_364 = arith.constant 512 : index
    %swap3A_365 = arith.constant 0 : index
    %swap3A_366 = vector.load %arg2[%swap3A_364, %swap3A_365] : memref<4096x1xi32, #tpu.memory_space<vmem>>, vector<512x1xi32>
    tpu.vector_store %arg2[%swap3A_364, %swap3A_365], %convert_element_type3A_363 {strides = array<i32>} : memref<4096x1xi32, #tpu.memory_space<vmem>>, vector<512x1xi32>,
    %slice3A_367 = vector.extract_strided_slice %div3A_35 {offsets = [512, 0], sizes = [512, 1], strides = [1, 1]} : vector<2048x1xf32> to vector<512x1xf32>
    %swap3A_368 = arith.constant 512 : index
    %swap3A_369 = arith.constant 0 : index
    %swap3A_370 = vector.load %arg3[%swap3A_368, %swap3A_369] : memref<4096x1xf32, #tpu.memory_space<vmem>>, vector<512x1xf32>
    tpu.vector_store %arg3[%swap3A_368, %swap3A_369], %slice3A_367 {strides = array<i32>} : memref<4096x1xf32, #tpu.memory_space<vmem>>, vector<512x1xf32>,
    %mul3A_371 = vector.broadcast %mul3A_342 : vector<1x128xf32> to vector<512x128xf32>
    %mul3A_372 = arith.mulf %convert_element_type3A_84, %mul3A_371 : vector<512x128xf32>
    %reduce_sum3A_373 = arith.constant dense<0.000000e+00> : vector<512xf32>
    %reduce_sum3A_374 = vector.multi_reduction <add>, %mul3A_372, %reduce_sum3A_373 [1] : vector<512x128xf32> to vector<512xf32>
    %broadcast_in_dim3A_375 = vector.shape_cast %reduce_sum3A_374 : vector<512xf32> to vector<512x1xf32>
    %add3A_376 = arith.addf %broadcast_in_dim3A_375, %broadcast_in_dim3A_93 : vector<512x1xf32>
    %convert_element_type3A_377 = arith.fptosi %add3A_376 : vector<512x1xf32> to vector<512x1xi32>
    %swap3A_378 = arith.constant 1024 : index
    %swap3A_379 = arith.constant 0 : index
    %swap3A_380 = vector.load %arg2[%swap3A_378, %swap3A_379] : memref<4096x1xi32, #tpu.memory_space<vmem>>, vector<512x1xi32>
    tpu.vector_store %arg2[%swap3A_378, %swap3A_379], %convert_element_type3A_377 {strides = array<i32>} : memref<4096x1xi32, #tpu.memory_space<vmem>>, vector<512x1xi32>,
    %slice3A_381 = vector.extract_strided_slice %div3A_35 {offsets = [1024, 0], sizes = [512, 1], strides = [1, 1]} : vector<2048x1xf32> to vector<512x1xf32>
    %swap3A_382 = arith.constant 1024 : index
    %swap3A_383 = arith.constant 0 : index
    %swap3A_384 = vector.load %arg3[%swap3A_382, %swap3A_383] : memref<4096x1xf32, #tpu.memory_space<vmem>>, vector<512x1xf32>
    tpu.vector_store %arg3[%swap3A_382, %swap3A_383], %slice3A_381 {strides = array<i32>} : memref<4096x1xf32, #tpu.memory_space<vmem>>, vector<512x1xf32>,
    %mul3A_385 = vector.broadcast %mul3A_342 : vector<1x128xf32> to vector<512x128xf32>
    %mul3A_386 = arith.mulf %convert_element_type3A_102, %mul3A_385 : vector<512x128xf32>
    %reduce_sum3A_387 = arith.constant dense<0.000000e+00> : vector<512xf32>
    %reduce_sum3A_388 = vector.multi_reduction <add>, %mul3A_386, %reduce_sum3A_387 [1] : vector<512x128xf32> to vector<512xf32>
    %broadcast_in_dim3A_389 = vector.shape_cast %reduce_sum3A_388 : vector<512xf32> to vector<512x1xf32>
    %add3A_390 = arith.addf %broadcast_in_dim3A_389, %broadcast_in_dim3A_111 : vector<512x1xf32>
    %convert_element_type3A_391 = arith.fptosi %add3A_390 : vector<512x1xf32> to vector<512x1xi32>
    %swap3A_392 = arith.constant 1536 : index
    %swap3A_393 = arith.constant 0 : index
    %swap3A_394 = vector.load %arg2[%swap3A_392, %swap3A_393] : memref<4096x1xi32, #tpu.memory_space<vmem>>, vector<512x1xi32>
    tpu.vector_store %arg2[%swap3A_392, %swap3A_393], %convert_element_type3A_391 {strides = array<i32>} : memref<4096x1xi32, #tpu.memory_space<vmem>>, vector<512x1xi32>,
    %slice3A_395 = vector.extract_strided_slice %div3A_35 {offsets = [1536, 0], sizes = [512, 1], strides = [1, 1]} : vector<2048x1xf32> to vector<512x1xf32>
    %swap3A_396 = arith.constant 1536 : index
    %swap3A_397 = arith.constant 0 : index
    %swap3A_398 = vector.load %arg3[%swap3A_396, %swap3A_397] : memref<4096x1xf32, #tpu.memory_space<vmem>>, vector<512x1xf32>
    tpu.vector_store %arg3[%swap3A_396, %swap3A_397], %slice3A_395 {strides = array<i32>} : memref<4096x1xf32, #tpu.memory_space<vmem>>, vector<512x1xf32>,
    %mul3A_399 = vector.broadcast %mul3A_342 : vector<1x128xf32> to vector<512x128xf32>
    %mul3A_400 = arith.mulf %convert_element_type3A_120, %mul3A_399 : vector<512x128xf32>
    %reduce_sum3A_401 = arith.constant dense<0.000000e+00> : vector<512xf32>
    %reduce_sum3A_402 = vector.multi_reduction <add>, %mul3A_400, %reduce_sum3A_401 [1] : vector<512x128xf32> to vector<512xf32>
    %broadcast_in_dim3A_403 = vector.shape_cast %reduce_sum3A_402 : vector<512xf32> to vector<512x1xf32>
    %add3A_404 = arith.addf %broadcast_in_dim3A_403, %broadcast_in_dim3A_129 : vector<512x1xf32>
    %convert_element_type3A_405 = arith.fptosi %add3A_404 : vector<512x1xf32> to vector<512x1xi32>
    %swap3A_406 = arith.constant 2048 : index
    %swap3A_407 = arith.constant 0 : index
    %swap3A_408 = vector.load %arg2[%swap3A_406, %swap3A_407] : memref<4096x1xi32, #tpu.memory_space<vmem>>, vector<512x1xi32>
    tpu.vector_store %arg2[%swap3A_406, %swap3A_407], %convert_element_type3A_405 {strides = array<i32>} : memref<4096x1xi32, #tpu.memory_space<vmem>>, vector<512x1xi32>,
    %slice3A_409 = vector.extract_strided_slice %sub3A_38 {offsets = [0, 0], sizes = [512, 1], strides = [1, 1]} : vector<2048x1xf32> to vector<512x1xf32>
    %swap3A_410 = arith.constant 2048 : index
    %swap3A_411 = arith.constant 0 : index
    %swap3A_412 = vector.load %arg3[%swap3A_410, %swap3A_411] : memref<4096x1xf32, #tpu.memory_space<vmem>>, vector<512x1xf32>
    tpu.vector_store %arg3[%swap3A_410, %swap3A_411], %slice3A_409 {strides = array<i32>} : memref<4096x1xf32, #tpu.memory_space<vmem>>, vector<512x1xf32>,
    %mul3A_413 = vector.broadcast %mul3A_342 : vector<1x128xf32> to vector<512x128xf32>
    %mul3A_414 = arith.mulf %convert_element_type3A_138, %mul3A_413 : vector<512x128xf32>
    %reduce_sum3A_415 = arith.constant dense<0.000000e+00> : vector<512xf32>
    %reduce_sum3A_416 = vector.multi_reduction <add>, %mul3A_414, %reduce_sum3A_415 [1] : vector<512x128xf32> to vector<512xf32>
    %broadcast_in_dim3A_417 = vector.shape_cast %reduce_sum3A_416 : vector<512xf32> to vector<512x1xf32>
    %add3A_418 = arith.addf %broadcast_in_dim3A_417, %broadcast_in_dim3A_147 : vector<512x1xf32>
    %convert_element_type3A_419 = arith.fptosi %add3A_418 : vector<512x1xf32> to vector<512x1xi32>
    %swap3A_420 = arith.constant 2560 : index
    %swap3A_421 = arith.constant 0 : index
    %swap3A_422 = vector.load %arg2[%swap3A_420, %swap3A_421] : memref<4096x1xi32, #tpu.memory_space<vmem>>, vector<512x1xi32>
    tpu.vector_store %arg2[%swap3A_420, %swap3A_421], %convert_element_type3A_419 {strides = array<i32>} : memref<4096x1xi32, #tpu.memory_space<vmem>>, vector<512x1xi32>,
    %slice3A_423 = vector.extract_strided_slice %sub3A_38 {offsets = [512, 0], sizes = [512, 1], strides = [1, 1]} : vector<2048x1xf32> to vector<512x1xf32>
    %swap3A_424 = arith.constant 2560 : index
    %swap3A_425 = arith.constant 0 : index
    %swap3A_426 = vector.load %arg3[%swap3A_424, %swap3A_425] : memref<4096x1xf32, #tpu.memory_space<vmem>>, vector<512x1xf32>
    tpu.vector_store %arg3[%swap3A_424, %swap3A_425], %slice3A_423 {strides = array<i32>} : memref<4096x1xf32, #tpu.memory_space<vmem>>, vector<512x1xf32>,
    %mul3A_427 = vector.broadcast %mul3A_342 : vector<1x128xf32> to vector<512x128xf32>
    %mul3A_428 = arith.mulf %convert_element_type3A_156, %mul3A_427 : vector<512x128xf32>
    %reduce_sum3A_429 = arith.constant dense<0.000000e+00> : vector<512xf32>
    %reduce_sum3A_430 = vector.multi_reduction <add>, %mul3A_428, %reduce_sum3A_429 [1] : vector<512x128xf32> to vector<512xf32>
    %broadcast_in_dim3A_431 = vector.shape_cast %reduce_sum3A_430 : vector<512xf32> to vector<512x1xf32>
    %add3A_432 = arith.addf %broadcast_in_dim3A_431, %broadcast_in_dim3A_165 : vector<512x1xf32>
    %convert_element_type3A_433 = arith.fptosi %add3A_432 : vector<512x1xf32> to vector<512x1xi32>
    %swap3A_434 = arith.constant 3072 : index
    %swap3A_435 = arith.constant 0 : index
    %swap3A_436 = vector.load %arg2[%swap3A_434, %swap3A_435] : memref<4096x1xi32, #tpu.memory_space<vmem>>, vector<512x1xi32>
    tpu.vector_store %arg2[%swap3A_434, %swap3A_435], %convert_element_type3A_433 {strides = array<i32>} : memref<4096x1xi32, #tpu.memory_space<vmem>>, vector<512x1xi32>,
    %slice3A_437 = vector.extract_strided_slice %sub3A_38 {offsets = [1024, 0], sizes = [512, 1], strides = [1, 1]} : vector<2048x1xf32> to vector<512x1xf32>
    %swap3A_438 = arith.constant 3072 : index
    %swap3A_439 = arith.constant 0 : index
    %swap3A_440 = vector.load %arg3[%swap3A_438, %swap3A_439] : memref<4096x1xf32, #tpu.memory_space<vmem>>, vector<512x1xf32>
    tpu.vector_store %arg3[%swap3A_438, %swap3A_439], %slice3A_437 {strides = array<i32>} : memref<4096x1xf32, #tpu.memory_space<vmem>>, vector<512x1xf32>,
    %mul3A_441 = vector.broadcast %mul3A_342 : vector<1x128xf32> to vector<512x128xf32>
    %mul3A_442 = arith.mulf %convert_element_type3A_174, %mul3A_441 : vector<512x128xf32>
    %reduce_sum3A_443 = arith.constant dense<0.000000e+00> : vector<512xf32>
    %reduce_sum3A_444 = vector.multi_reduction <add>, %mul3A_442, %reduce_sum3A_443 [1] : vector<512x128xf32> to vector<512xf32>
    %broadcast_in_dim3A_445 = vector.shape_cast %reduce_sum3A_444 : vector<512xf32> to vector<512x1xf32>
    %add3A_446 = arith.addf %broadcast_in_dim3A_445, %broadcast_in_dim3A_183 : vector<512x1xf32>
    %convert_element_type3A_447 = arith.fptosi %add3A_446 : vector<512x1xf32> to vector<512x1xi32>
    %swap3A_448 = arith.constant 3584 : index
    %swap3A_449 = arith.constant 0 : index
    %swap3A_450 = vector.load %arg2[%swap3A_448, %swap3A_449] : memref<4096x1xi32, #tpu.memory_space<vmem>>, vector<512x1xi32>
    tpu.vector_store %arg2[%swap3A_448, %swap3A_449], %convert_element_type3A_447 {strides = array<i32>} : memref<4096x1xi32, #tpu.memory_space<vmem>>, vector<512x1xi32>,
    %slice3A_451 = vector.extract_strided_slice %sub3A_38 {offsets = [1536, 0], sizes = [512, 1], strides = [1, 1]} : vector<2048x1xf32> to vector<512x1xf32>
    %swap3A_452 = arith.constant 3584 : index
    %swap3A_453 = arith.constant 0 : index
    %swap3A_454 = vector.load %arg3[%swap3A_452, %swap3A_453] : memref<4096x1xf32, #tpu.memory_space<vmem>>, vector<512x1xf32>
    tpu.vector_store %arg3[%swap3A_452, %swap3A_453], %slice3A_451 {strides = array<i32>} : memref<4096x1xf32, #tpu.memory_space<vmem>>, vector<512x1xf32>,
    return
  }
}

module attributes {stable_mosaic.version = 14 : i64} {
  func.func @_ffn_body(%arg0: i32, %arg1: memref<24xi32, #tpu.memory_space<smem>>, %arg2: memref<256x1024xf32, #tpu.memory_space<vmem>>, %arg3: memref<1x1024x2048xbf16, #tpu.memory_space<vmem>>, %arg4: memref<1x1x2048xf32, #tpu.memory_space<vmem>>, %arg5: memref<1x2048x1024xbf16, #tpu.memory_space<vmem>>, %arg6: memref<1x1x1024xf32, #tpu.memory_space<vmem>>, %arg7: memref<256x1024xf32, #tpu.memory_space<vmem>>) attributes {dimension_semantics = [#tpu.dimension_semantics<arbitrary>], iteration_bounds = array<i64: 24>, scalar_prefetch = 1 : i64, scratch_operands = 0 : i64, tpu.core_type = #tpu.core_type<tc>, window_params = [{transform_indices = @transform_0, window_bounds = array<i64: 256, 1024>}, {transform_indices = @transform_1, window_bounds = array<i64: 1, 1024, 2048>}, {transform_indices = @transform_2, window_bounds = array<i64: 1, 1, 2048>}, {transform_indices = @transform_3, window_bounds = array<i64: 1, 2048, 1024>}, {transform_indices = @transform_4, window_bounds = array<i64: 1, 1, 1024>}, {transform_indices = @transform_5, window_bounds = array<i64: 256, 1024>}]} {
    %get3A = arith.index_cast %arg0 : i32 to index
    %get3A_0 = memref.load %arg1[%get3A] : memref<24xi32, #tpu.memory_space<smem>>
    %lt3A = arith.constant 8 : i32
    %lt3A_1 = arith.cmpi slt, %get3A_0, %lt3A : i32
    %convert_element_type3A = arith.extui %lt3A_1 : i1 to i32
    %cond3A = arith.constant 0 : i32
    %cond3A_2 = arith.cmpi ne, %convert_element_type3A, %cond3A : i32
    scf.if %cond3A_2 {
      %get3A_3 = arith.constant 0 : index
      %get3A_4 = arith.constant 0 : index
      %get3A_5 = vector.load %arg2[%get3A_3, %get3A_4] : memref<256x1024xf32, #tpu.memory_space<vmem>>, vector<256x1024xf32>
      %convert_element_type3A_6 = arith.truncf %get3A_5 : vector<256x1024xf32> to vector<256x1024xbf16>
      %get3A_7 = arith.constant 0 : index
      %get3A_8 = arith.constant 0 : index
      %get3A_9 = arith.constant 0 : index
      %get3A_10 = vector.load %arg3[%get3A_7, %get3A_8, %get3A_9] : memref<1x1024x2048xbf16, #tpu.memory_space<vmem>>, vector<1x1024x2048xbf16>
      %get3A_11 = vector.shape_cast %get3A_10 : vector<1x1024x2048xbf16> to vector<1024x2048xbf16>
      %dot_general3A = arith.constant dense<0.000000e+00> : vector<256x2048xf32>
      %dot_general3A_12 = tpu.matmul %convert_element_type3A_6, %get3A_11, %dot_general3A {dimension_numbers = #tpu.dot_dimension_numbers<[1], [0], [0], [1], [0, 0, 1, 1], [], []>, transpose_lhs_hint = false} : vector<256x1024xbf16>, vector<1024x2048xbf16>, vector<256x2048xf32> -> vector<256x2048xf32>
      %get3A_13 = arith.constant 0 : index
      %get3A_14 = arith.constant 0 : index
      %get3A_15 = arith.constant 0 : index
      %get3A_16 = vector.load %arg4[%get3A_13, %get3A_14, %get3A_15] : memref<1x1x2048xf32, #tpu.memory_space<vmem>>, vector<1x1x2048xf32>
      %get3A_17 = vector.shape_cast %get3A_16 : vector<1x1x2048xf32> to vector<1x2048xf32>
      %add3A = vector.broadcast %get3A_17 : vector<1x2048xf32> to vector<256x2048xf32>
      %add3A_18 = arith.addf %dot_general3A_12, %add3A : vector<256x2048xf32>
      %integer_pow3A = arith.mulf %add3A_18, %add3A_18 : vector<256x2048xf32>
      %integer_pow3A_19 = arith.mulf %add3A_18, %integer_pow3A : vector<256x2048xf32>
      %mul3A = arith.constant 4.471500e-02 : f32
      %mul3A_20 = vector.broadcast %mul3A : f32 to vector<256x2048xf32>
      %mul3A_21 = arith.mulf %mul3A_20, %integer_pow3A_19 : vector<256x2048xf32>
      %add3A_22 = arith.addf %add3A_18, %mul3A_21 : vector<256x2048xf32>
      %mul3A_23 = arith.constant 0.797884583 : f32
      %mul3A_24 = vector.broadcast %mul3A_23 : f32 to vector<256x2048xf32>
      %mul3A_25 = arith.mulf %mul3A_24, %add3A_22 : vector<256x2048xf32>
      %tanh3A = math.tanh %mul3A_25 : vector<256x2048xf32>
      %add3A_26 = arith.constant 1.000000e+00 : f32
      %add3A_27 = vector.broadcast %add3A_26 : f32 to vector<256x2048xf32>
      %add3A_28 = arith.addf %add3A_27, %tanh3A : vector<256x2048xf32>
      %mul3A_29 = arith.constant 5.000000e-01 : f32
      %mul3A_30 = vector.broadcast %mul3A_29 : f32 to vector<256x2048xf32>
      %mul3A_31 = arith.mulf %mul3A_30, %add3A_28 : vector<256x2048xf32>
      %mul3A_32 = arith.mulf %add3A_18, %mul3A_31 : vector<256x2048xf32>
      %convert_element_type3A_33 = arith.truncf %mul3A_32 : vector<256x2048xf32> to vector<256x2048xbf16>
      %get3A_34 = arith.constant 0 : index
      %get3A_35 = arith.constant 0 : index
      %get3A_36 = arith.constant 0 : index
      %get3A_37 = vector.load %arg5[%get3A_34, %get3A_35, %get3A_36] : memref<1x2048x1024xbf16, #tpu.memory_space<vmem>>, vector<1x2048x1024xbf16>
      %get3A_38 = vector.shape_cast %get3A_37 : vector<1x2048x1024xbf16> to vector<2048x1024xbf16>
      %dot_general3A_39 = arith.constant dense<0.000000e+00> : vector<256x1024xf32>
      %dot_general3A_40 = tpu.matmul %convert_element_type3A_33, %get3A_38, %dot_general3A_39 {dimension_numbers = #tpu.dot_dimension_numbers<[1], [0], [0], [1], [0, 0, 1, 1], [], []>, transpose_lhs_hint = false} : vector<256x2048xbf16>, vector<2048x1024xbf16>, vector<256x1024xf32> -> vector<256x1024xf32>
      %get3A_41 = arith.constant 0 : index
      %get3A_42 = arith.constant 0 : index
      %get3A_43 = arith.constant 0 : index
      %get3A_44 = vector.load %arg6[%get3A_41, %get3A_42, %get3A_43] : memref<1x1x1024xf32, #tpu.memory_space<vmem>>, vector<1x1x1024xf32>
      %get3A_45 = vector.shape_cast %get3A_44 : vector<1x1x1024xf32> to vector<1x1024xf32>
      %add3A_46 = vector.broadcast %get3A_45 : vector<1x1024xf32> to vector<256x1024xf32>
      %add3A_47 = arith.addf %dot_general3A_40, %add3A_46 : vector<256x1024xf32>
      %swap3A = arith.constant 0 : index
      %swap3A_48 = arith.constant 0 : index
      %swap3A_49 = vector.load %arg7[%swap3A, %swap3A_48] : memref<256x1024xf32, #tpu.memory_space<vmem>>, vector<256x1024xf32>
      tpu.vector_store %arg7[%swap3A, %swap3A_48], %add3A_47 {strides = array<i32>} : memref<256x1024xf32, #tpu.memory_space<vmem>>, vector<256x1024xf32>,
    } else {
    }
    return
  }
  func.func @transform_0(%arg0: i32, %arg1: memref<24xi32, #tpu.memory_space<smem>>) -> (i32, i32) {
    %c0_i32 = arith.constant 0 : i32
    %c0_i32_0 = arith.constant 0 : i32
    return %arg0, %c0_i32 : i32, i32
  }
  func.func @transform_1(%arg0: i32, %arg1: memref<24xi32, #tpu.memory_space<smem>>) -> (i32, i32, i32) {
    %get3A = arith.index_cast %arg0 : i32 to index
    %get3A_0 = memref.load %arg1[%get3A] : memref<24xi32, #tpu.memory_space<smem>>
    %min3A = arith.constant 7 : i32
    %min3A_1 = arith.minsi %get3A_0, %min3A : i32
    %c0_i32 = arith.constant 0 : i32
    %c0_i32_2 = arith.constant 0 : i32
    %c0_i32_3 = arith.constant 0 : i32
    return %min3A_1, %c0_i32, %c0_i32_2 : i32, i32, i32
  }
  func.func @transform_2(%arg0: i32, %arg1: memref<24xi32, #tpu.memory_space<smem>>) -> (i32, i32, i32) {
    %get3A = arith.index_cast %arg0 : i32 to index
    %get3A_0 = memref.load %arg1[%get3A] : memref<24xi32, #tpu.memory_space<smem>>
    %min3A = arith.constant 7 : i32
    %min3A_1 = arith.minsi %get3A_0, %min3A : i32
    %c0_i32 = arith.constant 0 : i32
    %c0_i32_2 = arith.constant 0 : i32
    %c0_i32_3 = arith.constant 0 : i32
    return %min3A_1, %c0_i32, %c0_i32_2 : i32, i32, i32
  }
  func.func @transform_3(%arg0: i32, %arg1: memref<24xi32, #tpu.memory_space<smem>>) -> (i32, i32, i32) {
    %get3A = arith.index_cast %arg0 : i32 to index
    %get3A_0 = memref.load %arg1[%get3A] : memref<24xi32, #tpu.memory_space<smem>>
    %min3A = arith.constant 7 : i32
    %min3A_1 = arith.minsi %get3A_0, %min3A : i32
    %c0_i32 = arith.constant 0 : i32
    %c0_i32_2 = arith.constant 0 : i32
    %c0_i32_3 = arith.constant 0 : i32
    return %min3A_1, %c0_i32, %c0_i32_2 : i32, i32, i32
  }
  func.func @transform_4(%arg0: i32, %arg1: memref<24xi32, #tpu.memory_space<smem>>) -> (i32, i32, i32) {
    %get3A = arith.index_cast %arg0 : i32 to index
    %get3A_0 = memref.load %arg1[%get3A] : memref<24xi32, #tpu.memory_space<smem>>
    %min3A = arith.constant 7 : i32
    %min3A_1 = arith.minsi %get3A_0, %min3A : i32
    %c0_i32 = arith.constant 0 : i32
    %c0_i32_2 = arith.constant 0 : i32
    %c0_i32_3 = arith.constant 0 : i32
    return %min3A_1, %c0_i32, %c0_i32_2 : i32, i32, i32
  }
  func.func @transform_5(%arg0: i32, %arg1: memref<24xi32, #tpu.memory_space<smem>>) -> (i32, i32) {
    %c0_i32 = arith.constant 0 : i32
    %c0_i32_0 = arith.constant 0 : i32
    return %arg0, %c0_i32 : i32, i32
  }
}

module attributes {stable_mosaic.version = 14 : i64} {
  func.func @_mix_body(%arg0: memref<2048x1024xf32, #tpu.memory_space<vmem>>, %arg1: memref<2048x1024xf32, #tpu.memory_space<vmem>>, %arg2: memref<2048x1xf32, #tpu.memory_space<vmem>>, %arg3: memref<2048x1xf32, #tpu.memory_space<vmem>>, %arg4: memref<2048x1024xf32, #tpu.memory_space<vmem>>) attributes {dimension_semantics = [], scalar_prefetch = 0 : i64, scratch_operands = 0 : i64, tpu.core_type = #tpu.core_type<tc>} {
    %get3A = arith.constant 0 : index
    %get3A_0 = arith.constant 0 : index
    %get3A_1 = vector.load %arg2[%get3A, %get3A_0] : memref<2048x1xf32, #tpu.memory_space<vmem>>, vector<2048x1xf32>
    %get3A_2 = arith.constant 0 : index
    %get3A_3 = arith.constant 0 : index
    %get3A_4 = vector.load %arg0[%get3A_2, %get3A_3] : memref<2048x1024xf32, #tpu.memory_space<vmem>>, vector<2048x1024xf32>
    %mul3A = vector.broadcast %get3A_1 : vector<2048x1xf32> to vector<2048x1024xf32>
    %mul3A_5 = arith.mulf %mul3A, %get3A_4 : vector<2048x1024xf32>
    %get3A_6 = arith.constant 0 : index
    %get3A_7 = arith.constant 0 : index
    %get3A_8 = vector.load %arg3[%get3A_6, %get3A_7] : memref<2048x1xf32, #tpu.memory_space<vmem>>, vector<2048x1xf32>
    %get3A_9 = arith.constant 0 : index
    %get3A_10 = arith.constant 0 : index
    %get3A_11 = vector.load %arg1[%get3A_9, %get3A_10] : memref<2048x1024xf32, #tpu.memory_space<vmem>>, vector<2048x1024xf32>
    %mul3A_12 = vector.broadcast %get3A_8 : vector<2048x1xf32> to vector<2048x1024xf32>
    %mul3A_13 = arith.mulf %mul3A_12, %get3A_11 : vector<2048x1024xf32>
    %add3A = arith.addf %mul3A_5, %mul3A_13 : vector<2048x1024xf32>
    %swap3A = arith.constant 0 : index
    %swap3A_14 = arith.constant 0 : index
    %swap3A_15 = vector.load %arg4[%swap3A, %swap3A_14] : memref<2048x1024xf32, #tpu.memory_space<vmem>>, vector<2048x1024xf32>
    tpu.vector_store %arg4[%swap3A, %swap3A_14], %add3A {strides = array<i32>} : memref<2048x1024xf32, #tpu.memory_space<vmem>>, vector<2048x1024xf32>,
    return
  }
}

</mosaic_0001>

<sc_bundles>
// kernel: kernel.10.cloned.1.call-start
scs
__scs_entry_jumppad:
0x0: {  	(pc) =	sbr.rel $0x88, $3  }
0x1: {  	(tag) =	ssettag $0x0;
	lr =	simm.s32 $0x1  }
0x2: {  	[smem:$0x3F9B] =	sst lr;
	_ =	strace $0xD0000000  }
0x3: {  	_ = 	snop  }
0x4: {  	_ = 	snop  }
0x5: {  	_ = 	snop  }
0x6: {  	_ = 	snop  }
0x7: {  	_ = 	snop  }
__scs_overlays_trampoline_lowered:
0x8: {  	[smem:$0x3FAA] =	sst s0  }
0x9: {  	[smem:$0x3FAB] =	sst s1  }
0xa: {  	[smem:$0x3FAC] =	sst s2  }
0xb: {  	[smem:$0x3FAD] =	sst s3  }
0xc: {  	[smem:$0x3FAE] =	sst s4  }
0xd: {  	[smem:$0x3FAF] =	sst s5  }
0xe: {  	[smem:$0x3FB0] =	sst s6  }
0xf: {  	[smem:$0x3FB1] =	sst s7  }
0x10: {  	[smem:$0x3FB2] =	sst s8  }
0x11: {  	[smem:$0x3FB3] =	sst s9;
	s0 =	simm.s32 @!p0 $0x0  }
0x12: {  	s1 =	sld [smem:$0x3F99];
	s0 =	simm.s32 @p0 $0x1  }
0x13: {  	[smem:$0x3FB4] =	sst s0;
	s0 =	simm.s32 @!p1 $0x0  }
0x14: {  	s2 =	sld [smem:$0x3F98];
	s0 =	simm.s32 @p1 $0x1  }
0x15: {  	[smem:$0x3FB5] =	sst s0;
	s0 =	simm.s32 @!p2 $0x0  }
0x16: {  	s3 =	sld [smem:$0x3FDB];
	s0 =	simm.s32 @p2 $0x1  }
0x17: {  	s4 =	simm.s32 $0x1BF5;
	[smem:$0x3FB7] =	sst s0  }
0x18: {  	s0 =	sld [smem:$0x3F9A];
	_ =	swait.ge [sflag:s4], $0x0  }
0x19: {  	s7 =	sld [smem:$0x3F9B]  }
0x1a: {  	s8 =	sadd.s32 $0xFFFFE003, lr  }
0x1b: {  	s9 =	sadd.s32 $0xFFFFFEF7, lr;
	s5 =	simm.s32 $0xFFFFFFFF;
	p2 =	slt.u32 s8, $0xFFFFF086  }
0x1c: {  	p1 =	slt.u32 s9, $0xF7A;
	s5 =	simm.s32 @!p2 $0x0  }
0x1d: {  	s5 =	simm.s32 @p1 $0x1;
	p0 =	seq.s32 s7, s2  }
0x1e: {  	s7 =	smul.u32 @!p0 $0xF7A, s2;
	p2 =	seq.s32 @!p0 s5, $0x0  }
0x1f: {  	s9 =	smul.u32 $0xF7A, s1;
	s8 =	simm.s32 @!p0 $0x1BF5;
	p2 =	por !p2, p0  }
0x20: {  	[sflag:s8] =	ssyncset.s32 @!p0 $0xFFFFF086;
	s6 =	sadd.s32 @!p0 s3, s7;
	s7 =	simm.s32 @!p0 $0x108  }
0x21: {  	s3 =	sadd.s32 s3, s9;
	s6 =	sadd.s32 @!p0 $0x88, s6;
	s7 =	simm.s32 @p2 $0x1082  }
0x22: {  	[simem:s7], [sflag:s8] =	dma.local @!p0 [hbm:s6], $0xF7A  }
0x23: {  	s9 =	sor.u32 $0xD0000000, s2;
	s6 =	simm.s32 $0x108;
	_ =	swait.ge @!p0 [sflag:s8], $0x0  }
0x24: {  	s3 =	sadd.s32 $0x88, s3;
	s6 =	simm.s32 @!p1 $0x1082;
	[sflag:s4] =	ssyncset.s32 $0xFFFFF086  }
0x25: {  	[simem:s6], [sflag:s4] =	dma.local [hbm:s3], $0xF7A  }
0x26: {  	[smem:$0x3F9B] =	sst s1;
	(tag) =	ssettag s2;
	_ =	strace s9  }
0x27: {  	s1 =	sld [smem:$0x3FAB]  }
0x28: {  	s2 =	sld [smem:$0x3FAC]  }
0x29: {  	s4 =	sld [smem:$0x3FAE]  }
0x2a: {  	p0 =	seq.s32 s5, $0x0;
	s5 =	sld [smem:$0x3FAF]  }
0x2b: {  	s6 =	sld [smem:$0x3FB0]  }
0x2c: {  	s7 =	sld [smem:$0x3FB1]  }
0x2d: {  	s3 =	simm.s32 $0x108;
	s8 =	sld [smem:$0x3FB2]  }
0x2e: {  	s3 =	simm.s32 @!p0 $0x1082;
	s9 =	sld [smem:$0x3FB3]  }
0x2f: {  	lr =	sadd.s32 s0, s3;
	s0 =	sld [smem:$0x3FAA]  }
0x30: {  	s3 =	sld [smem:$0x3FAD]  }
0x31: {  	[smem:$0x3FB6] =	sst s10  }
0x32: {  	s10 =	sld [smem:$0x3FB4];
	_ =	sdelay $0x3  }
0x33: {  	p0 =	seq.s32 s10, $0x1;
	s10 =	sld [smem:$0x3FB6];
	_ =	sdelay $0x3  }
0x34: {  	[smem:$0x3FB6] =	sst s10  }
0x35: {  	s10 =	sld [smem:$0x3FB5];
	_ =	sdelay $0x3  }
0x36: {  	p1 =	seq.s32 s10, $0x1;
	s10 =	sld [smem:$0x3FB6];
	_ =	sdelay $0x3  }
0x37: {  	[smem:$0x3FB6] =	sst s10  }
0x38: {  	s10 =	sld [smem:$0x3FB7]  }
0x39: {  	_ = 	snop;
	(pc) =	sbr.ind lr, $3  }
0x3a: {  	_ = 	snop  }
0x3b: {  	_ = 	snop  }
0x3c: {  	p2 =	seq.s32 s10, $0x1;
	s10 =	sld [smem:$0x3FB6]  }
0x3d: {  	_ =	shalt  }
0x3e: {  	_ =	shalt  }
0x3f: {  	_ =	shalt  }
0x40: {  	_ =	shalt  }
0x41: {  	_ =	shalt  }
0x42: {  	_ =	shalt  }
0x43: {  	_ =	shalt  }
0x44: {  	_ =	shalt  }
0x45: {  	_ =	shalt  }
0x46: {  	_ =	shalt  }
0x47: {  	_ =	shalt  }
0x48: {  	_ =	shalt  }
0x49: {  	_ =	shalt  }
0x4a: {  	_ =	shalt  }
0x4b: {  	_ =	shalt  }
0x4c: {  	_ =	shalt  }
0x4d: {  	_ =	shalt  }
0x4e: {  	_ =	shalt  }
0x4f: {  	_ =	shalt  }
0x50: {  	_ =	shalt  }
0x51: {  	_ =	shalt  }
0x52: {  	_ =	shalt  }
0x53: {  	_ =	shalt  }
0x54: {  	_ =	shalt  }
0x55: {  	_ =	shalt  }
0x56: {  	_ =	shalt  }
0x57: {  	_ =	shalt  }
0x58: {  	_ =	shalt  }
0x59: {  	_ =	shalt  }
0x5a: {  	_ =	shalt  }
0x5b: {  	_ =	shalt  }
0x5c: {  	_ =	shalt  }
0x5d: {  	_ =	shalt  }
0x5e: {  	_ =	shalt  }
0x5f: {  	_ =	shalt  }
0x60: {  	_ =	shalt  }
0x61: {  	_ =	shalt  }
0x62: {  	_ =	shalt  }
0x63: {  	_ =	shalt  }
0x64: {  	_ =	shalt  }
0x65: {  	_ =	shalt  }
0x66: {  	_ =	shalt  }
0x67: {  	_ =	shalt  }
0x68: {  	_ =	shalt  }
0x69: {  	_ =	shalt  }
0x6a: {  	_ =	shalt  }
0x6b: {  	_ =	shalt  }
0x6c: {  	_ =	shalt  }
0x6d: {  	_ =	shalt  }
0x6e: {  	_ =	shalt  }
0x6f: {  	_ =	shalt  }
0x70: {  	_ =	shalt  }
0x71: {  	_ =	shalt  }
0x72: {  	_ =	shalt  }
0x73: {  	_ =	shalt  }
0x74: {  	_ =	shalt  }
0x75: {  	_ =	shalt  }
0x76: {  	_ =	shalt  }
0x77: {  	_ =	shalt  }
0x78: {  	_ =	shalt  }
0x79: {  	_ =	shalt  }
0x7a: {  	_ =	shalt  }
0x7b: {  	_ =	shalt  }
0x7c: {  	_ =	shalt  }
0x7d: {  	_ =	shalt  }
0x7e: {  	_ =	shalt  }
0x7f: {  	_ =	shalt  }
0x80: {  	_ =	shalt  }
0x81: {  	_ =	shalt  }
0x82: {  	_ =	shalt  }
0x83: {  	_ =	shalt  }
0x84: {  	_ =	shalt  }
0x85: {  	_ =	shalt  }
0x86: {  	_ =	shalt  }
0x87: {  	_ =	shalt  }
.Lfunc_end0:
.L_simem_size_0:
called_computation.1_lowered:
.L_overlay_start_0:
0x88: {  	s2 =	sld [smem:$0x3FD9]  }
0x89: {  	s3 =	sld [smem:$0x3FFE];
	_ =	sdelay $0x1  }
0x8a: {  	s1 =	srdreg.scid  }
0x8b: {  	s0 =	sand.u32 $0x1, s1  }
0x8c: {  	s17 =	sshll.u32 s0, $0xA;
	s2 =	sadd.s32 s3, s2  }
0x8d: {  	s2 =	sadd.s32 s2, s17  }
0x8e: {  	[smem:$0x3FC2] =	sst s2  }
0x8f: {  	_ = 	snop  }
0x90: {  	s2 =	sld [smem:$0x3FD0];
	(tm) =	ssettm $0x1  }
0x91: {  	s18 =	sld [smem:$0x3FFB];
	_ =	sdelay $0x3  }
0x92: {  	_ =	strace s18  }
0x93: {  	s3 =	sld [smem:$0x3FFC];
	_ =	sdelay $0x3  }
0x94: {  	_ =	strace s3  }
0x95: {  	s3 =	sld [smem:$0x3FFD];
	_ =	sdelay $0x3  }
0x96: {  	_ =	strace s3  }
0x97: {  	_ =	strace $0x8FFFFFFF  }
0x98: {  	s19 =	sld [smem:$0x3FDB];
	_ =	sdelay $0x1  }
0x99: {  	s4 =	simm.s32 $_scs_section_size  }
0x9a: {  	s5 =	simm.s32 $_size__tile_overlayer_lowered;
	s6 =	simm.s32 $_tile_overlayer_lowered  }
0x9b: {  	s22 =	simm.s32 $0x1BFF;
	s21 =	sshll.u32 s6, $0x1;
	s3 =	sadd.s32 s4, s19  }
0x9c: {  	s7 =	simm.s32 $0x0;
	s20 =	sshll.u32 s5, $0x1;
	s5 =	sadd.s32 s21, s3  }
0x9d: {  	[timem:s7], [sflag:s22] =	dma.local [hbm:s5], s20  }
0x9e: {  	_ =	swait.ge [sflag:s22], s20  }
0x9f: {  	s4 =	ssub.s32 $0x0, s20;
	[sflag:s22] =	ssyncset.done $0x0  }
0xa0: {  	[sflag:s22] =	ssyncadd.s32 s4;
	_ =	sdelay $0x1  }
0xa1: {  	s23 =	simm.s32 $0x1B8B  }
0xa2: {  	_ =	swait.ge [sflag:s23], $0x1  }
0xa3: {  	[sflag:s23] =	ssyncset.done $0x0  }
0xa4: {  	s25 =	simm.s32 $0x1B8E;
	s24 =	sld [smem:$0x3FFE];
	[sflag:s23] =	ssyncadd.s32 $0xFFFFFFFF  }
0xa5: {  	s26 =	simm.s32 $execute0_lowered;
	[smem:$0x3FD2] =	sst s25  }
0xa6: {  	s5 =	sshll.u32 s26, $0x1;
	_ =	strace $0x80000049;
	[dreg:$0x1] =	wrdreg $0xFFFFFFFF  }
0xa7: {  	s28 =	simm.s32 $_size_execute0_lowered;
	s3 =	sadd.s32 s3, s5;
	[dreg:$0x0] =	wrdreg $0x0  }
0xa8: {  	s5 =	sshll.u32 s28, $0x1;
	[dreg:$0x2] =	wrdreg s3  }
0xa9: {  	[dreg:$0x3] =	wrdreg s5  }
0xaa: {  	[dreg:$0x4] =	wrdreg $0xC0  }
0xab: {  	_ =	task [dreg:s7], $0x5FFFF  }
0xac: {  	[dreg:$0x1] =	wrdreg $0xFFFFFFFF  }
0xad: {  	[dreg:$0x0] =	wrdreg $0x60  }
0xae: {  	[dreg:$0x2] =	wrdreg s24  }
0xaf: {  	[dreg:$0x3] =	wrdreg s2  }
0xb0: {  	[dreg:$0x4] =	wrdreg $0x9  }
0xb1: {  	_ =	task.clear_ibuf [dreg:s7], $0x5FFFF;
	_ =	strace $0x90000049  }
0xb2: {  	s29 =	simm.s32 $0x9;
	_ =	strace $0x8000004B  }
0xb3: {  	_ =	swait.ge [sflag:s29], $0x1  }
0xb4: {  	[sflag:s29] =	ssyncadd.s32 $0xFFFFFFFF  }
0xb5: {  	_ =	strace $0x9000004B  }
0xb6: {  	_ =	sfence  }
0xb7: {  	s30 =	sld [smem:$0x0];
	_ =	sdelay $0x2  }
0xb8: {  	s31 =	sshll.u32 s1, $0xD;
	s1 =	sshrl.u32 s1, $0x2  }
0xb9: {  	s3 =	sand.u32 $0x4000, s31;
	s1 =	sadd.s32 s1, s30  }
0xba: {  	s0 =	sor.u32 s3, s0;
	s1 =	sshll.u32 s1, $0x11  }
0xbb: {  	s0 =	sor.u32 s1, s0  }
0xbc: {  	s0 =	sadd.s32 $0x8F2B, s0  }
0xbd: {  	[sflag:s0] =	ssyncadd.remote.s32 $0x1  }
0xbe: {  	_ =	sfence.sel $0xFFFF  }
0xbf: {  	[dreg:$0x0] =	wrdreg $0xFFFFFFFF;
	(pc) =	sbr.abs _section_cstart, $3  }
0xc0: {  	[dreg:$0x1] =	wrdreg $0xFFFFFFFF  }
0xc1: {  	_ =	task.clear_ibuf [dreg:s7], $0x2FFFF;
	_ =	strace $0x9FFFFFFF  }
0xc2: {  	(tm) =	ssettm $0x7FFFFFFF  }
0xc3: {  	_ =	shalt  }
tec
execute0_lowered:
.L_overlay_start_1:
0x0: {  	(tag) =	ssettag $0x1  }
0x1: {  	s0 =	rddreg [dreg:$0x0]  }
0x2: {  	s1 =	rddreg [dreg:$0x1]  }
0x3: {  	s2 =	srdreg.scid;
	s3 =	stileid.u32  }
0x4: {  	s28 =	simm.s32 $0x1;
	s29 =	simm.s32 $0x100;
	s30 =	simm.s32 $0x2900  }
0x5: {  	s31 =	simm.s32 $0x3100;
	s12 =	simm.s32 $0x5900;
	s13 =	simm.s32 $0x6100  }
0x6: {  	s14 =	simm.s32 $0x6900;
	s15 =	simm.s32 $0x7100;
	s16 =	simm.s32 $0x7900  }
0x7: {  	s17 =	simm.s32 $0x8900;
	s18 =	simm.s32 $0x9100;
	s19 =	simm.s32 $0x9900  }
0x8: {  	s20 =	simm.s32 $0xA100;
	s4 =	sand.u32 $0x1, s2;
	s2 =	simm.s32 $0x0  }
0x9: {  	s3 =	sshll.u32 s3, $0x7;
	s6 =	sadd.s32 $0xE00, s0;
	s8 =	sadd.s32 $0x1000, s0  }
0xa: {  	s5 =	sshll.u32 s4, $0x6;
	[smem:$0x7FF] =	sst s2;
	s4 =	ssub.s32 $0x2, s4  }
0xb: {  	s5 =	sor.u32 s5, s3;
	_ =	strace $0x8000004A;
	s3 =	sadd.s32 $0x2C1000, s0  }
0xc: {  	s10 =	sshrl.u32 s4, $0x1;
	s7 =	sshrl.u32 s5, $0x3;
	s9 =	sshll.u32 s5, $0x7  }
0xd: {  	s5 =	sor.u32 $0x20, s5;
	s4 =	ssub.s32 s4, s10;
	s10 =	simm.s32 $0x5100  }
0xe: {  	s11 =	sadd.s32 s6, s7;
	s21 =	sadd.s32 s1, s9;
	s22 =	sadd.s32 s8, s9  }
0xf: {  	s23 =	sshrl.u32 s5, $0x3;
	s25 =	sshll.u32 s5, $0x7;
	[dreg:$0x4] =	wrdreg s21  }
0x10: {  	s5 =	sadd.s32 $0x2C1100, s0;
	s9 =	simm.s32 $0x2;
	[dreg:$0x5] =	wrdreg s22  }
0x11: {  	s7 =	sadd.s32 $0x100, s11;
	s6 =	sadd.s32 s6, s23;
	[dreg:$0xa] =	wrdreg s11  }
0x12: {  	s24 =	sadd.s32 $0x104, s11;
	s1 =	sadd.s32 s1, s25;
	s26 =	sadd.s32 s8, s25  }
0x13: {  	s8 =	smax.u32 s4, $0x1;
	s22 =	simm.s32 $0x80;
	[dreg:$0x3] =	wrdreg s7  }
0x14: {  	s23 =	simm.s32 $0x900;
	s25 =	simm.s32 $0x1900;
	[dreg:$0x6] =	wrdreg s6  }
0x15: {  	v2 =	vlaneseq.u32;
	s4 =	simm.s32 $0x4900;
	s11 =	simm.s32 $0xA900;
	[dreg:$0x7] =	wrdreg s24  }
0x16: {  	vm0 =	vmmov $0xffff;
	v1 =	vshrl.u32 v2, $0x3;
	[dreg:$0x8] =	wrdreg s1;
	s6 =	sadd.s32 $0x2C1200, s0;
	s7 =	sadd.s32 $0x2C1300, s0  }
0x17: {  	v0 =	vand.u32 $0x7, v2;
	v2 =	vor.u32 $0x8, v2;
	v1 =	vmul.u32 $0x8, v1;
	[dreg:$0x9] =	wrdreg s26;
	s24 =	simm.s32 $0x1100;
	s26 =	simm.s32 $0x2100  }
.LBB2_1:
0x18: {  	s21 =	rddreg [dreg:$0xa]  }
0x19: {  	[tilespmem:s2], [sflag:$0x2] =	stream.linear.gather [hbm4b:s21+s2], $0x20, $0x38;
	[tilespmem:$0x10100] =	vst v63  }
0x1a: {  	_ =	swait.ge [sflag:s9], $0x20  }
0x1b: {  	[sflag:s9] =	ssyncset.done $0x0  }
0x1c: {  	s1 =	rddreg [dreg:$0x3];
	[sflag:s9] =	ssyncadd.s32 $0xFFFFFFE0  }
0x1d: {  	[tilespmem:s22], [sflag:$0x2] =	stream.linear.gather [hbm4b:s1+s2], $0x20, $0x38;
	[tilespmem:$0x10100] =	vst v63  }
0x1e: {  	_ =	swait.ge [sflag:s9], $0x20  }
0x1f: {  	[sflag:s9] =	ssyncset.done $0x0  }
0x20: {  	[sflag:s9] =	ssyncadd.s32 $0xFFFFFFE0  }
0x21: {  	v3 =	vld [tilespmem:$0x0];
	_ =	sdelay $0x4  }
0x22: {  	v4 =	vshll.u32 v3, $0x3  }
0x23: {  	v3 =	vand.u32 $0x7, v3;
	v4 =	vand.u32 $0xFFFFFFC0, v4  }
0x24: {  	v3 =	vor.u32 v3, v4  }
0x25: {  	v4 =	vperm.xlane v3, v0;
	_ =	sdelay $0x1  }
0x26: {  	v4 =	vadd.s32 v1, v4;
	_ =	sdelay $0x4  }
0x27: {  	[tilespmem:s29], [sflag:$0x1] =	stream.indirect_vreg.gather [hbm4b:s3+s2], $0x80, v4, vm0, $0xb8;
	[tilespmem:$0x10100] =	vst v63  }
0x28: {  	v3 =	vperm.xlane v3, v2  }
0x29: {  	[tilespmem:s23], [sflag:$0x1] =	stream.indirect_vreg.gather [hbm4b:s5+s2], $0x80, v4, vm0, $0xb8;
	[tilespmem:$0x10100] =	vst v63  }
0x2a: {  	v3 =	vadd.s32 v1, v3  }
0x2b: {  	[tilespmem:s24], [sflag:$0x1] =	stream.indirect_vreg.gather [hbm4b:s6+s2], $0x80, v4, vm0, $0xb8;
	[tilespmem:$0x10100] =	vst v63  }
0x2c: {  	_ = 	snop  }
0x2d: {  	[tilespmem:s25], [sflag:$0x1] =	stream.indirect_vreg.gather [hbm4b:s7+s2], $0x80, v4, vm0, $0xb8;
	[tilespmem:$0x10100] =	vst v63  }
0x2e: {  	_ = 	snop  }
0x2f: {  	[tilespmem:s26], [sflag:$0x1] =	stream.indirect_vreg.gather [hbm4b:s3+s2], $0x80, v3, vm0, $0xb8;
	[tilespmem:$0x10100] =	vst v63  }
0x30: {  	_ = 	snop  }
0x31: {  	[tilespmem:s30], [sflag:$0x1] =	stream.indirect_vreg.gather [hbm4b:s5+s2], $0x80, v3, vm0, $0xb8;
	[tilespmem:$0x10100] =	vst v63  }
0x32: {  	_ = 	snop  }
0x33: {  	[tilespmem:s31], [sflag:$0x1] =	stream.indirect_vreg.gather [hbm4b:s6+s2], $0x80, v3, vm0, $0xb8;
	[tilespmem:$0x10100] =	vst v63  }
0x34: {  	s0 =	simm.s32 $0x3900  }
0x35: {  	[tilespmem:s0], [sflag:$0x1] =	stream.indirect_vreg.gather [hbm4b:s7+s2], $0x80, v3, vm0, $0xb8;
	[tilespmem:$0x10100] =	vst v63  }
0x36: {  	v3 =	vld [tilespmem:$0x10];
	_ =	sdelay $0x4  }
0x37: {  	v57 =	vshll.u32 v3, $0x3  }
0x38: {  	v3 =	vand.u32 $0x7, v3;
	v4 =	vand.u32 $0xFFFFFFC0, v57  }
0x39: {  	v3 =	vor.u32 v3, v4  }
0x3a: {  	v4 =	vperm.xlane v3, v0;
	_ =	sdelay $0x1  }
0x3b: {  	v4 =	vadd.s32 v1, v4;
	_ =	sdelay $0x3  }
0x3c: {  	s1 =	simm.s32 $0x4100  }
0x3d: {  	[tilespmem:s1], [sflag:$0x1] =	stream.indirect_vreg.gather [hbm4b:s3+s2], $0x80, v4, vm0, $0xb8;
	[tilespmem:$0x10100] =	vst v63  }
0x3e: {  	v3 =	vperm.xlane v3, v2  }
0x3f: {  	[tilespmem:s4], [sflag:$0x1] =	stream.indirect_vreg.gather [hbm4b:s5+s2], $0x80, v4, vm0, $0xb8;
	[tilespmem:$0x10100] =	vst v63  }
0x40: {  	v3 =	vadd.s32 v1, v3  }
0x41: {  	[tilespmem:s10], [sflag:$0x1] =	stream.indirect_vreg.gather [hbm4b:s6+s2], $0x80, v4, vm0, $0xb8;
	[tilespmem:$0x10100] =	vst v63  }
0x42: {  	_ = 	snop  }
0x43: {  	[tilespmem:s12], [sflag:$0x1] =	stream.indirect_vreg.gather [hbm4b:s7+s2], $0x80, v4, vm0, $0xb8;
	[tilespmem:$0x10100] =	vst v63  }
0x44: {  	_ = 	snop  }
0x45: {  	[tilespmem:s13], [sflag:$0x1] =	stream.indirect_vreg.gather [hbm4b:s3+s2], $0x80, v3, vm0, $0xb8;
	[tilespmem:$0x10100] =	vst v63  }
0x46: {  	_ = 	snop  }
0x47: {  	[tilespmem:s14], [sflag:$0x1] =	stream.indirect_vreg.gather [hbm4b:s5+s2], $0x80, v3, vm0, $0xb8;
	[tilespmem:$0x10100] =	vst v63  }
0x48: {  	_ = 	snop  }
0x49: {  	[tilespmem:s15], [sflag:$0x1] =	stream.indirect_vreg.gather [hbm4b:s6+s2], $0x80, v3, vm0, $0xb8;
	[tilespmem:$0x10100] =	vst v63  }
0x4a: {  	_ = 	snop  }
0x4b: {  	[tilespmem:s16], [sflag:$0x1] =	stream.indirect_vreg.gather [hbm4b:s7+s2], $0x80, v3, vm0, $0xb8;
	[tilespmem:$0x10100] =	vst v63  }
0x4c: {  	_ =	swait.ge [sflag:s28], $0x8000  }
0x4d: {  	[sflag:s28] =	ssyncset.done $0x0  }
0x4e: {  	s0 =	rddreg [dreg:$0x4];
	[sflag:s28] =	ssyncadd.s32 $0xFFFF8000  }
0x4f: {  	[hbm4b:s0+s2] =	stream.linear.scatter [tilespmem:s29], [sflag:$0x2], $0x8000, $0x38;
	[tilespmem:$0x10100] =	vst v63  }
0x50: {  	_ =	swait.ge [sflag:s9], $0x8000  }
0x51: {  	[sflag:s9] =	ssyncset.done $0x0  }
0x52: {  	[sflag:s9] =	ssyncadd.s32 $0xFFFF8000  }
0x53: {  	v3 =	vld [tilespmem:$0x80];
	_ =	sdelay $0x4  }
0x54: {  	v58 =	vshll.u32 v3, $0x3  }
0x55: {  	v3 =	vand.u32 $0x7, v3;
	v4 =	vand.u32 $0xFFFFFFC0, v58  }
0x56: {  	v3 =	vor.u32 v3, v4  }
0x57: {  	v4 =	vperm.xlane v3, v0;
	_ =	sdelay $0x1  }
0x58: {  	v4 =	vadd.s32 v1, v4;
	_ =	sdelay $0x3  }
0x59: {  	s0 =	simm.s32 $0x8100  }
0x5a: {  	[tilespmem:s0], [sflag:$0x1] =	stream.indirect_vreg.gather [hbm4b:s3+s2], $0x80, v4, vm0, $0xb8;
	[tilespmem:$0x10100] =	vst v63  }
0x5b: {  	v3 =	vperm.xlane v3, v2  }
0x5c: {  	[tilespmem:s17], [sflag:$0x1] =	stream.indirect_vreg.gather [hbm4b:s5+s2], $0x80, v4, vm0, $0xb8;
	[tilespmem:$0x10100] =	vst v63  }
0x5d: {  	v3 =	vadd.s32 v1, v3  }
0x5e: {  	[tilespmem:s18], [sflag:$0x1] =	stream.indirect_vreg.gather [hbm4b:s6+s2], $0x80, v4, vm0, $0xb8;
	[tilespmem:$0x10100] =	vst v63  }
0x5f: {  	_ = 	snop  }
0x60: {  	[tilespmem:s19], [sflag:$0x1] =	stream.indirect_vreg.gather [hbm4b:s7+s2], $0x80, v4, vm0, $0xb8;
	[tilespmem:$0x10100] =	vst v63  }
0x61: {  	_ = 	snop  }
0x62: {  	[tilespmem:s20], [sflag:$0x1] =	stream.indirect_vreg.gather [hbm4b:s3+s2], $0x80, v3, vm0, $0xb8;
	[tilespmem:$0x10100] =	vst v63  }
0x63: {  	_ = 	snop  }
0x64: {  	[tilespmem:s11], [sflag:$0x1] =	stream.indirect_vreg.gather [hbm4b:s5+s2], $0x80, v3, vm0, $0xb8;
	[tilespmem:$0x10100] =	vst v63  }
0x65: {  	s21 =	simm.s32 $0xB100  }
0x66: {  	[tilespmem:s21], [sflag:$0x1] =	stream.indirect_vreg.gather [hbm4b:s6+s2], $0x80, v3, vm0, $0xb8;
	[tilespmem:$0x10100] =	vst v63  }
0x67: {  	s21 =	simm.s32 $0xB900  }
0x68: {  	[tilespmem:s21], [sflag:$0x1] =	stream.indirect_vreg.gather [hbm4b:s7+s2], $0x80, v3, vm0, $0xb8;
	[tilespmem:$0x10100] =	vst v63  }
0x69: {  	v3 =	vld [tilespmem:$0x90];
	_ =	sdelay $0x4  }
0x6a: {  	v59 =	vshll.u32 v3, $0x3  }
0x6b: {  	v3 =	vand.u32 $0x7, v3;
	v4 =	vand.u32 $0xFFFFFFC0, v59  }
0x6c: {  	v3 =	vor.u32 v3, v4  }
0x6d: {  	v4 =	vperm.xlane v3, v0;
	_ =	sdelay $0x1  }
0x6e: {  	v4 =	vadd.s32 v1, v4;
	_ =	sdelay $0x3  }
0x6f: {  	s21 =	simm.s32 $0xC100  }
0x70: {  	[tilespmem:s21], [sflag:$0x1] =	stream.indirect_vreg.gather [hbm4b:s3+s2], $0x80, v4, vm0, $0xb8;
	[tilespmem:$0x10100] =	vst v63  }
0x71: {  	v3 =	vperm.xlane v3, v2;
	s21 =	simm.s32 $0xC900  }
0x72: {  	[tilespmem:s21], [sflag:$0x1] =	stream.indirect_vreg.gather [hbm4b:s5+s2], $0x80, v4, vm0, $0xb8;
	[tilespmem:$0x10100] =	vst v63  }
0x73: {  	v3 =	vadd.s32 v1, v3;
	s21 =	simm.s32 $0xD100  }
0x74: {  	[tilespmem:s21], [sflag:$0x1] =	stream.indirect_vreg.gather [hbm4b:s6+s2], $0x80, v4, vm0, $0xb8;
	[tilespmem:$0x10100] =	vst v63  }
0x75: {  	s21 =	simm.s32 $0xD900  }
0x76: {  	[tilespmem:s21], [sflag:$0x1] =	stream.indirect_vreg.gather [hbm4b:s7+s2], $0x80, v4, vm0, $0xb8;
	[tilespmem:$0x10100] =	vst v63  }
0x77: {  	s21 =	simm.s32 $0xE100  }
0x78: {  	[tilespmem:s21], [sflag:$0x1] =	stream.indirect_vreg.gather [hbm4b:s3+s2], $0x80, v3, vm0, $0xb8;
	[tilespmem:$0x10100] =	vst v63  }
0x79: {  	s21 =	simm.s32 $0xE900  }
0x7a: {  	[tilespmem:s21], [sflag:$0x1] =	stream.indirect_vreg.gather [hbm4b:s5+s2], $0x80, v3, vm0, $0xb8;
	[tilespmem:$0x10100] =	vst v63  }
0x7b: {  	s21 =	simm.s32 $0xF100  }
0x7c: {  	[tilespmem:s21], [sflag:$0x1] =	stream.indirect_vreg.gather [hbm4b:s6+s2], $0x80, v3, vm0, $0xb8;
	[tilespmem:$0x10100] =	vst v63  }
0x7d: {  	s21 =	simm.s32 $0xF900  }
0x7e: {  	[tilespmem:s21], [sflag:$0x1] =	stream.indirect_vreg.gather [hbm4b:s7+s2], $0x80, v3, vm0, $0xb8;
	[tilespmem:$0x10100] =	vst v63  }
0x7f: {  	_ =	swait.ge [sflag:s28], $0x8000  }
0x80: {  	[sflag:s28] =	ssyncset.done $0x0  }
0x81: {  	s21 =	rddreg [dreg:$0x5];
	[sflag:s28] =	ssyncadd.s32 $0xFFFF8000  }
0x82: {  	[hbm4b:s21+s2] =	stream.linear.scatter [tilespmem:s0], [sflag:$0x2], $0x8000, $0x38;
	[tilespmem:$0x10100] =	vst v63  }
0x83: {  	_ =	swait.ge [sflag:s9], $0x8000  }
0x84: {  	[sflag:s9] =	ssyncset.done $0x0  }
0x85: {  	s21 =	rddreg [dreg:$0x6];
	[sflag:s9] =	ssyncadd.s32 $0xFFFF8000  }
0x86: {  	[tilespmem:s2], [sflag:$0x2] =	stream.linear.gather [hbm4b:s21+s2], $0x20, $0x38;
	[tilespmem:$0x10100] =	vst v63  }
0x87: {  	_ =	swait.ge [sflag:s9], $0x20  }
0x88: {  	[sflag:s9] =	ssyncset.done $0x0  }
0x89: {  	s21 =	rddreg [dreg:$0x7];
	[sflag:s9] =	ssyncadd.s32 $0xFFFFFFE0  }
0x8a: {  	[tilespmem:s22], [sflag:$0x2] =	stream.linear.gather [hbm4b:s21+s2], $0x20, $0x38;
	[tilespmem:$0x10100] =	vst v63  }
0x8b: {  	_ =	swait.ge [sflag:s9], $0x20  }
0x8c: {  	[sflag:s9] =	ssyncset.done $0x0  }
0x8d: {  	[sflag:s9] =	ssyncadd.s32 $0xFFFFFFE0  }
0x8e: {  	v3 =	vld [tilespmem:$0x0];
	_ =	sdelay $0x4  }
0x8f: {  	v60 =	vshll.u32 v3, $0x3  }
0x90: {  	v3 =	vand.u32 $0x7, v3;
	v4 =	vand.u32 $0xFFFFFFC0, v60  }
0x91: {  	v3 =	vor.u32 v3, v4  }
0x92: {  	v4 =	vperm.xlane v3, v0;
	_ =	sdelay $0x1  }
0x93: {  	v4 =	vadd.s32 v1, v4;
	_ =	sdelay $0x4  }
0x94: {  	[tilespmem:s29], [sflag:$0x1] =	stream.indirect_vreg.gather [hbm4b:s3+s2], $0x80, v4, vm0, $0xb8;
	[tilespmem:$0x10100] =	vst v63  }
0x95: {  	v3 =	vperm.xlane v3, v2  }
0x96: {  	[tilespmem:s23], [sflag:$0x1] =	stream.indirect_vreg.gather [hbm4b:s5+s2], $0x80, v4, vm0, $0xb8;
	[tilespmem:$0x10100] =	vst v63  }
0x97: {  	v3 =	vadd.s32 v1, v3  }
0x98: {  	[tilespmem:s24], [sflag:$0x1] =	stream.indirect_vreg.gather [hbm4b:s6+s2], $0x80, v4, vm0, $0xb8;
	[tilespmem:$0x10100] =	vst v63  }
0x99: {  	_ = 	snop  }
0x9a: {  	[tilespmem:s25], [sflag:$0x1] =	stream.indirect_vreg.gather [hbm4b:s7+s2], $0x80, v4, vm0, $0xb8;
	[tilespmem:$0x10100] =	vst v63  }
0x9b: {  	_ = 	snop  }
0x9c: {  	[tilespmem:s26], [sflag:$0x1] =	stream.indirect_vreg.gather [hbm4b:s3+s2], $0x80, v3, vm0, $0xb8;
	[tilespmem:$0x10100] =	vst v63  }
0x9d: {  	_ = 	snop  }
0x9e: {  	[tilespmem:s30], [sflag:$0x1] =	stream.indirect_vreg.gather [hbm4b:s5+s2], $0x80, v3, vm0, $0xb8;
	[tilespmem:$0x10100] =	vst v63  }
0x9f: {  	_ = 	snop  }
0xa0: {  	[tilespmem:s31], [sflag:$0x1] =	stream.indirect_vreg.gather [hbm4b:s6+s2], $0x80, v3, vm0, $0xb8;
	[tilespmem:$0x10100] =	vst v63  }
0xa1: {  	s21 =	simm.s32 $0x3900  }
0xa2: {  	[tilespmem:s21], [sflag:$0x1] =	stream.indirect_vreg.gather [hbm4b:s7+s2], $0x80, v3, vm0, $0xb8;
	[tilespmem:$0x10100] =	vst v63  }
0xa3: {  	v3 =	vld [tilespmem:$0x10];
	_ =	sdelay $0x4  }
0xa4: {  	v61 =	vshll.u32 v3, $0x3  }
0xa5: {  	v3 =	vand.u32 $0x7, v3;
	v4 =	vand.u32 $0xFFFFFFC0, v61  }
0xa6: {  	v3 =	vor.u32 v3, v4  }
0xa7: {  	v4 =	vperm.xlane v3, v0;
	_ =	sdelay $0x1  }
0xa8: {  	v4 =	vadd.s32 v1, v4;
	_ =	sdelay $0x4  }
0xa9: {  	[tilespmem:s1], [sflag:$0x1] =	stream.indirect_vreg.gather [hbm4b:s3+s2], $0x80, v4, vm0, $0xb8;
	[tilespmem:$0x10100] =	vst v63  }
0xaa: {  	v3 =	vperm.xlane v3, v2  }
0xab: {  	[tilespmem:s4], [sflag:$0x1] =	stream.indirect_vreg.gather [hbm4b:s5+s2], $0x80, v4, vm0, $0xb8;
	[tilespmem:$0x10100] =	vst v63  }
0xac: {  	v3 =	vadd.s32 v1, v3  }
0xad: {  	[tilespmem:s10], [sflag:$0x1] =	stream.indirect_vreg.gather [hbm4b:s6+s2], $0x80, v4, vm0, $0xb8;
	[tilespmem:$0x10100] =	vst v63  }
0xae: {  	_ = 	snop  }
0xaf: {  	[tilespmem:s12], [sflag:$0x1] =	stream.indirect_vreg.gather [hbm4b:s7+s2], $0x80, v4, vm0, $0xb8;
	[tilespmem:$0x10100] =	vst v63  }
0xb0: {  	_ = 	snop  }
0xb1: {  	[tilespmem:s13], [sflag:$0x1] =	stream.indirect_vreg.gather [hbm4b:s3+s2], $0x80, v3, vm0, $0xb8;
	[tilespmem:$0x10100] =	vst v63  }
0xb2: {  	_ = 	snop  }
0xb3: {  	[tilespmem:s14], [sflag:$0x1] =	stream.indirect_vreg.gather [hbm4b:s5+s2], $0x80, v3, vm0, $0xb8;
	[tilespmem:$0x10100] =	vst v63  }
0xb4: {  	_ = 	snop  }
0xb5: {  	[tilespmem:s15], [sflag:$0x1] =	stream.indirect_vreg.gather [hbm4b:s6+s2], $0x80, v3, vm0, $0xb8;
	[tilespmem:$0x10100] =	vst v63  }
0xb6: {  	_ = 	snop  }
0xb7: {  	[tilespmem:s16], [sflag:$0x1] =	stream.indirect_vreg.gather [hbm4b:s7+s2], $0x80, v3, vm0, $0xb8;
	[tilespmem:$0x10100] =	vst v63  }
0xb8: {  	_ =	swait.ge [sflag:s28], $0x8000  }
0xb9: {  	[sflag:s28] =	ssyncset.done $0x0  }
0xba: {  	s1 =	rddreg [dreg:$0x8];
	[sflag:s28] =	ssyncadd.s32 $0xFFFF8000  }
0xbb: {  	[hbm4b:s1+s2] =	stream.linear.scatter [tilespmem:s29], [sflag:$0x2], $0x8000, $0x38;
	[tilespmem:$0x10100] =	vst v63  }
0xbc: {  	_ =	swait.ge [sflag:s9], $0x8000  }
0xbd: {  	[sflag:s9] =	ssyncset.done $0x0  }
0xbe: {  	[sflag:s9] =	ssyncadd.s32 $0xFFFF8000  }
0xbf: {  	v3 =	vld [tilespmem:$0x80];
	_ =	sdelay $0x4  }
0xc0: {  	v62 =	vshll.u32 v3, $0x3  }
0xc1: {  	v3 =	vand.u32 $0x7, v3;
	v4 =	vand.u32 $0xFFFFFFC0, v62  }
0xc2: {  	v3 =	vor.u32 v3, v4  }
0xc3: {  	v4 =	vperm.xlane v3, v0;
	_ =	sdelay $0x1  }
0xc4: {  	v4 =	vadd.s32 v1, v4;
	_ =	sdelay $0x4  }
0xc5: {  	[tilespmem:s0], [sflag:$0x1] =	stream.indirect_vreg.gather [hbm4b:s3+s2], $0x80, v4, vm0, $0xb8;
	[tilespmem:$0x10100] =	vst v63  }
0xc6: {  	v3 =	vperm.xlane v3, v2  }
0xc7: {  	[tilespmem:s17], [sflag:$0x1] =	stream.indirect_vreg.gather [hbm4b:s5+s2], $0x80, v4, vm0, $0xb8;
	[tilespmem:$0x10100] =	vst v63  }
0xc8: {  	v3 =	vadd.s32 v1, v3  }
0xc9: {  	[tilespmem:s18], [sflag:$0x1] =	stream.indirect_vreg.gather [hbm4b:s6+s2], $0x80, v4, vm0, $0xb8;
	[tilespmem:$0x10100] =	vst v63  }
0xca: {  	_ = 	snop  }
0xcb: {  	[tilespmem:s19], [sflag:$0x1] =	stream.indirect_vreg.gather [hbm4b:s7+s2], $0x80, v4, vm0, $0xb8;
	[tilespmem:$0x10100] =	vst v63  }
0xcc: {  	_ = 	snop  }
0xcd: {  	[tilespmem:s20], [sflag:$0x1] =	stream.indirect_vreg.gather [hbm4b:s3+s2], $0x80, v3, vm0, $0xb8;
	[tilespmem:$0x10100] =	vst v63  }
0xce: {  	_ = 	snop  }
0xcf: {  	[tilespmem:s11], [sflag:$0x1] =	stream.indirect_vreg.gather [hbm4b:s5+s2], $0x80, v3, vm0, $0xb8;
	[tilespmem:$0x10100] =	vst v63  }
0xd0: {  	s21 =	simm.s32 $0xB100  }
0xd1: {  	[tilespmem:s21], [sflag:$0x1] =	stream.indirect_vreg.gather [hbm4b:s6+s2], $0x80, v3, vm0, $0xb8;
	[tilespmem:$0x10100] =	vst v63  }
0xd2: {  	s21 =	simm.s32 $0xB900  }
0xd3: {  	[tilespmem:s21], [sflag:$0x1] =	stream.indirect_vreg.gather [hbm4b:s7+s2], $0x80, v3, vm0, $0xb8;
	[tilespmem:$0x10100] =	vst v63  }
0xd4: {  	v3 =	vld [tilespmem:$0x90];
	_ =	sdelay $0x4  }
0xd5: {  	v63 =	vshll.u32 v3, $0x3  }
0xd6: {  	v3 =	vand.u32 $0x7, v3;
	v4 =	vand.u32 $0xFFFFFFC0, v63  }
0xd7: {  	v3 =	vor.u32 v3, v4  }
0xd8: {  	v4 =	vperm.xlane v3, v0;
	_ =	sdelay $0x1  }
0xd9: {  	v4 =	vadd.s32 v1, v4;
	_ =	sdelay $0x3  }
0xda: {  	s21 =	simm.s32 $0xC100  }
0xdb: {  	[tilespmem:s21], [sflag:$0x1] =	stream.indirect_vreg.gather [hbm4b:s3+s2], $0x80, v4, vm0, $0xb8;
	[tilespmem:$0x10100] =	vst v63  }
0xdc: {  	v3 =	vperm.xlane v3, v2;
	s21 =	simm.s32 $0xC900  }
0xdd: {  	[tilespmem:s21], [sflag:$0x1] =	stream.indirect_vreg.gather [hbm4b:s5+s2], $0x80, v4, vm0, $0xb8;
	[tilespmem:$0x10100] =	vst v63  }
0xde: {  	v3 =	vadd.s32 v1, v3;
	s21 =	simm.s32 $0xD100  }
0xdf: {  	[tilespmem:s21], [sflag:$0x1] =	stream.indirect_vreg.gather [hbm4b:s6+s2], $0x80, v4, vm0, $0xb8;
	[tilespmem:$0x10100] =	vst v63  }
0xe0: {  	s21 =	simm.s32 $0xD900  }
0xe1: {  	[tilespmem:s21], [sflag:$0x1] =	stream.indirect_vreg.gather [hbm4b:s7+s2], $0x80, v4, vm0, $0xb8;
	[tilespmem:$0x10100] =	vst v63  }
0xe2: {  	s21 =	simm.s32 $0xE100  }
0xe3: {  	[tilespmem:s21], [sflag:$0x1] =	stream.indirect_vreg.gather [hbm4b:s3+s2], $0x80, v3, vm0, $0xb8;
	[tilespmem:$0x10100] =	vst v63  }
0xe4: {  	s21 =	simm.s32 $0xE900  }
0xe5: {  	[tilespmem:s21], [sflag:$0x1] =	stream.indirect_vreg.gather [hbm4b:s5+s2], $0x80, v3, vm0, $0xb8;
	[tilespmem:$0x10100] =	vst v63  }
0xe6: {  	s21 =	simm.s32 $0xF100  }
0xe7: {  	[tilespmem:s21], [sflag:$0x1] =	stream.indirect_vreg.gather [hbm4b:s6+s2], $0x80, v3, vm0, $0xb8;
	[tilespmem:$0x10100] =	vst v63  }
0xe8: {  	s21 =	simm.s32 $0xF900  }
0xe9: {  	[tilespmem:s21], [sflag:$0x1] =	stream.indirect_vreg.gather [hbm4b:s7+s2], $0x80, v3, vm0, $0xb8;
	[tilespmem:$0x10100] =	vst v63  }
0xea: {  	_ =	swait.ge [sflag:s28], $0x8000  }
0xeb: {  	p0 =	sne.s32 s8, $0x1;
	[sflag:s28] =	ssyncset.done $0x0  }
.Ltmp0:
0xec: {  	s1 =	rddreg [dreg:$0x9];
	[sflag:s28] =	ssyncadd.s32 $0xFFFF8000;
	(pc) =	sbr.rel @p0 .LBB2_1-.Ltmp0, $4  }
0xed: {  	[hbm4b:s1+s2] =	stream.linear.scatter [tilespmem:s0], [sflag:$0x2], $0x8000, $0x38;
	[tilespmem:$0x10100] =	vst v63  }
0xee: {  	_ =	swait.ge [sflag:s9], $0x8000  }
0xef: {  	[sflag:s9] =	ssyncset.done $0x0  }
0xf0: {  	s8 =	sadd.s32 $0xFFFFFFFF, s8;
	[sflag:s9] =	ssyncadd.s32 $0xFFFF8000  }
0xf1: {  	_ =	sfence.sel $0x180000  }
0xf2: {  	[bflag:$0x0] =	sbarrier.arrive $0xFFFF  }
0xf3: {  	_ =	strace $0x9000004A  }
0xf4: {  	s0 =	stileid.u32;
	[bflag:$0x2] =	sbarrier.arrive $0xFFFF  }
0xf5: {  	p0 =	sne.s32 s0, $0x0;
	s0 =	rddreg [dreg:$0x2]  }
0xf6: {  	s0 =	sadd.s32 @!p0 $0x100000, s0  }
0xf7: {  	[sflag:s0] =	ssyncadd.tile.s32 @!p0 $0x1;
	_ =	shalt  }
.Lfunc_end2:
_tile_overlayer_lowered:
.L_overlay_start_2:
0xf8: {  	(tag) =	ssettag $0x2  }
0xf9: {  	s0 =	rddreg [dreg:$0x0];
	s2 =	stileid.u32  }
0xfa: {  	s1 =	rddreg [dreg:$0x1];
	p0 =	sne.s32 s2, $0x0  }
0xfb: {  	s3 =	rddreg [dreg:$0x2];
	[bflag:$0x3] =	sbarrier.arrive $0xFFFF;
	s2 =	simm.s32 @!p0 $0x1C02  }
0xfc: {  	[timem:s3], [sflag:s2] =	dma.local @!p0 [hbm:s0], s1  }
0xfd: {  	s0 =	simm.s32 @!p0 $0x2  }
0xfe: {  	_ =	swait.ge @!p0 [sflag:s0], s1  }
0xff: {  	s1 =	ssub.s32 @!p0 $0x0, s1;
	[sflag:s0] =	ssyncset.done @!p0 $0x0  }
0x100: {  	[sflag:s0] =	ssyncadd.s32 @!p0 s1  }
0x101: {  	[bflag:$0x3] =	sbarrier.arrive $0xFFFF  }
0x102: {  	_ =	shalt  }

// kernel: kernel.7.cloned.1.call-start
scs
__scs_entry_jumppad:
0x0: {  	(pc) =	sbr.rel $0x88, $3  }
0x1: {  	(tag) =	ssettag $0x0;
	lr =	simm.s32 $0x1  }
0x2: {  	[smem:$0x3F9B] =	sst lr;
	_ =	strace $0xD0000000  }
0x3: {  	_ = 	snop  }
0x4: {  	_ = 	snop  }
0x5: {  	_ = 	snop  }
0x6: {  	_ = 	snop  }
0x7: {  	_ = 	snop  }
__scs_overlays_trampoline_lowered:
0x8: {  	[smem:$0x3FAA] =	sst s0  }
0x9: {  	[smem:$0x3FAB] =	sst s1  }
0xa: {  	[smem:$0x3FAC] =	sst s2  }
0xb: {  	[smem:$0x3FAD] =	sst s3  }
0xc: {  	[smem:$0x3FAE] =	sst s4  }
0xd: {  	[smem:$0x3FAF] =	sst s5  }
0xe: {  	[smem:$0x3FB0] =	sst s6  }
0xf: {  	[smem:$0x3FB1] =	sst s7  }
0x10: {  	[smem:$0x3FB2] =	sst s8  }
0x11: {  	[smem:$0x3FB3] =	sst s9;
	s0 =	simm.s32 @!p0 $0x0  }
0x12: {  	s1 =	sld [smem:$0x3F99];
	s0 =	simm.s32 @p0 $0x1  }
0x13: {  	[smem:$0x3FB4] =	sst s0;
	s0 =	simm.s32 @!p1 $0x0  }
0x14: {  	s2 =	sld [smem:$0x3F98];
	s0 =	simm.s32 @p1 $0x1  }
0x15: {  	[smem:$0x3FB5] =	sst s0;
	s0 =	simm.s32 @!p2 $0x0  }
0x16: {  	s3 =	sld [smem:$0x3FDB];
	s0 =	simm.s32 @p2 $0x1  }
0x17: {  	s4 =	simm.s32 $0x1BF5;
	[smem:$0x3FB7] =	sst s0  }
0x18: {  	s0 =	sld [smem:$0x3F9A];
	_ =	swait.ge [sflag:s4], $0x0  }
0x19: {  	s7 =	sld [smem:$0x3F9B]  }
0x1a: {  	s8 =	sadd.s32 $0xFFFFE003, lr  }
0x1b: {  	s9 =	sadd.s32 $0xFFFFFEF7, lr;
	s5 =	simm.s32 $0xFFFFFFFF;
	p2 =	slt.u32 s8, $0xFFFFF086  }
0x1c: {  	p1 =	slt.u32 s9, $0xF7A;
	s5 =	simm.s32 @!p2 $0x0  }
0x1d: {  	s5 =	simm.s32 @p1 $0x1;
	p0 =	seq.s32 s7, s2  }
0x1e: {  	s7 =	smul.u32 @!p0 $0xF7A, s2;
	p2 =	seq.s32 @!p0 s5, $0x0  }
0x1f: {  	s9 =	smul.u32 $0xF7A, s1;
	s8 =	simm.s32 @!p0 $0x1BF5;
	p2 =	por !p2, p0  }
0x20: {  	[sflag:s8] =	ssyncset.s32 @!p0 $0xFFFFF086;
	s6 =	sadd.s32 @!p0 s3, s7;
	s7 =	simm.s32 @!p0 $0x108  }
0x21: {  	s3 =	sadd.s32 s3, s9;
	s6 =	sadd.s32 @!p0 $0x88, s6;
	s7 =	simm.s32 @p2 $0x1082  }
0x22: {  	[simem:s7], [sflag:s8] =	dma.local @!p0 [hbm:s6], $0xF7A  }
0x23: {  	s9 =	sor.u32 $0xD0000000, s2;
	s6 =	simm.s32 $0x108;
	_ =	swait.ge @!p0 [sflag:s8], $0x0  }
0x24: {  	s3 =	sadd.s32 $0x88, s3;
	s6 =	simm.s32 @!p1 $0x1082;
	[sflag:s4] =	ssyncset.s32 $0xFFFFF086  }
0x25: {  	[simem:s6], [sflag:s4] =	dma.local [hbm:s3], $0xF7A  }
0x26: {  	[smem:$0x3F9B] =	sst s1;
	(tag) =	ssettag s2;
	_ =	strace s9  }
0x27: {  	s1 =	sld [smem:$0x3FAB]  }
0x28: {  	s2 =	sld [smem:$0x3FAC]  }
0x29: {  	s4 =	sld [smem:$0x3FAE]  }
0x2a: {  	p0 =	seq.s32 s5, $0x0;
	s5 =	sld [smem:$0x3FAF]  }
0x2b: {  	s6 =	sld [smem:$0x3FB0]  }
0x2c: {  	s7 =	sld [smem:$0x3FB1]  }
0x2d: {  	s3 =	simm.s32 $0x108;
	s8 =	sld [smem:$0x3FB2]  }
0x2e: {  	s3 =	simm.s32 @!p0 $0x1082;
	s9 =	sld [smem:$0x3FB3]  }
0x2f: {  	lr =	sadd.s32 s0, s3;
	s0 =	sld [smem:$0x3FAA]  }
0x30: {  	s3 =	sld [smem:$0x3FAD]  }
0x31: {  	[smem:$0x3FB6] =	sst s10  }
0x32: {  	s10 =	sld [smem:$0x3FB4];
	_ =	sdelay $0x3  }
0x33: {  	p0 =	seq.s32 s10, $0x1;
	s10 =	sld [smem:$0x3FB6];
	_ =	sdelay $0x3  }
0x34: {  	[smem:$0x3FB6] =	sst s10  }
0x35: {  	s10 =	sld [smem:$0x3FB5];
	_ =	sdelay $0x3  }
0x36: {  	p1 =	seq.s32 s10, $0x1;
	s10 =	sld [smem:$0x3FB6];
	_ =	sdelay $0x3  }
0x37: {  	[smem:$0x3FB6] =	sst s10  }
0x38: {  	s10 =	sld [smem:$0x3FB7]  }
0x39: {  	_ = 	snop;
	(pc) =	sbr.ind lr, $3  }
0x3a: {  	_ = 	snop  }
0x3b: {  	_ = 	snop  }
0x3c: {  	p2 =	seq.s32 s10, $0x1;
	s10 =	sld [smem:$0x3FB6]  }
0x3d: {  	_ =	shalt  }
0x3e: {  	_ =	shalt  }
0x3f: {  	_ =	shalt  }
0x40: {  	_ =	shalt  }
0x41: {  	_ =	shalt  }
0x42: {  	_ =	shalt  }
0x43: {  	_ =	shalt  }
0x44: {  	_ =	shalt  }
0x45: {  	_ =	shalt  }
0x46: {  	_ =	shalt  }
0x47: {  	_ =	shalt  }
0x48: {  	_ =	shalt  }
0x49: {  	_ =	shalt  }
0x4a: {  	_ =	shalt  }
0x4b: {  	_ =	shalt  }
0x4c: {  	_ =	shalt  }
0x4d: {  	_ =	shalt  }
0x4e: {  	_ =	shalt  }
0x4f: {  	_ =	shalt  }
0x50: {  	_ =	shalt  }
0x51: {  	_ =	shalt  }
0x52: {  	_ =	shalt  }
0x53: {  	_ =	shalt  }
0x54: {  	_ =	shalt  }
0x55: {  	_ =	shalt  }
0x56: {  	_ =	shalt  }
0x57: {  	_ =	shalt  }
0x58: {  	_ =	shalt  }
0x59: {  	_ =	shalt  }
0x5a: {  	_ =	shalt  }
0x5b: {  	_ =	shalt  }
0x5c: {  	_ =	shalt  }
0x5d: {  	_ =	shalt  }
0x5e: {  	_ =	shalt  }
0x5f: {  	_ =	shalt  }
0x60: {  	_ =	shalt  }
0x61: {  	_ =	shalt  }
0x62: {  	_ =	shalt  }
0x63: {  	_ =	shalt  }
0x64: {  	_ =	shalt  }
0x65: {  	_ =	shalt  }
0x66: {  	_ =	shalt  }
0x67: {  	_ =	shalt  }
0x68: {  	_ =	shalt  }
0x69: {  	_ =	shalt  }
0x6a: {  	_ =	shalt  }
0x6b: {  	_ =	shalt  }
0x6c: {  	_ =	shalt  }
0x6d: {  	_ =	shalt  }
0x6e: {  	_ =	shalt  }
0x6f: {  	_ =	shalt  }
0x70: {  	_ =	shalt  }
0x71: {  	_ =	shalt  }
0x72: {  	_ =	shalt  }
0x73: {  	_ =	shalt  }
0x74: {  	_ =	shalt  }
0x75: {  	_ =	shalt  }
0x76: {  	_ =	shalt  }
0x77: {  	_ =	shalt  }
0x78: {  	_ =	shalt  }
0x79: {  	_ =	shalt  }
0x7a: {  	_ =	shalt  }
0x7b: {  	_ =	shalt  }
0x7c: {  	_ =	shalt  }
0x7d: {  	_ =	shalt  }
0x7e: {  	_ =	shalt  }
0x7f: {  	_ =	shalt  }
0x80: {  	_ =	shalt  }
0x81: {  	_ =	shalt  }
0x82: {  	_ =	shalt  }
0x83: {  	_ =	shalt  }
0x84: {  	_ =	shalt  }
0x85: {  	_ =	shalt  }
0x86: {  	_ =	shalt  }
0x87: {  	_ =	shalt  }
.Lfunc_end0:
.L_simem_size_0:
called_computation_lowered:
.L_overlay_start_0:
0x88: {  	s2 =	sld [smem:$0x3FD9]  }
0x89: {  	s3 =	sld [smem:$0x3FFE];
	_ =	sdelay $0x1  }
0x8a: {  	s1 =	srdreg.scid  }
0x8b: {  	s0 =	sand.u32 $0x1, s1  }
0x8c: {  	s17 =	sshll.u32 s0, $0xA;
	s2 =	sadd.s32 s3, s2  }
0x8d: {  	s2 =	sadd.s32 s2, s17  }
0x8e: {  	[smem:$0x3FC2] =	sst s2  }
0x8f: {  	_ = 	snop  }
0x90: {  	s2 =	sld [smem:$0x3FC9];
	(tm) =	ssettm $0x1  }
0x91: {  	s18 =	sld [smem:$0x3FFB];
	_ =	sdelay $0x3  }
0x92: {  	_ =	strace s18  }
0x93: {  	s3 =	sld [smem:$0x3FFC];
	_ =	sdelay $0x3  }
0x94: {  	_ =	strace s3  }
0x95: {  	s3 =	sld [smem:$0x3FFD];
	_ =	sdelay $0x3  }
0x96: {  	_ =	strace s3  }
0x97: {  	_ =	strace $0x8FFFFFFF  }
0x98: {  	s19 =	sld [smem:$0x3FDB];
	_ =	sdelay $0x1  }
0x99: {  	s4 =	simm.s32 $_scs_section_size  }
0x9a: {  	s5 =	simm.s32 $_size__tile_overlayer_lowered;
	s6 =	simm.s32 $_tile_overlayer_lowered  }
0x9b: {  	s22 =	simm.s32 $0x1BFF;
	s21 =	sshll.u32 s6, $0x1;
	s3 =	sadd.s32 s4, s19  }
0x9c: {  	s7 =	simm.s32 $0x0;
	s20 =	sshll.u32 s5, $0x1;
	s5 =	sadd.s32 s21, s3  }
0x9d: {  	[timem:s7], [sflag:s22] =	dma.local [hbm:s5], s20  }
0x9e: {  	_ =	swait.ge [sflag:s22], s20  }
0x9f: {  	s4 =	ssub.s32 $0x0, s20;
	[sflag:s22] =	ssyncset.done $0x0  }
0xa0: {  	[sflag:s22] =	ssyncadd.s32 s4;
	_ =	sdelay $0x1  }
0xa1: {  	s23 =	simm.s32 $0x1B8B  }
0xa2: {  	_ =	swait.ge [sflag:s23], $0x1  }
0xa3: {  	[sflag:s23] =	ssyncset.done $0x0  }
0xa4: {  	s25 =	simm.s32 $0x1B8E;
	s24 =	sld [smem:$0x3FFE];
	[sflag:s23] =	ssyncadd.s32 $0xFFFFFFFF  }
0xa5: {  	s26 =	simm.s32 $execute0_lowered;
	[smem:$0x3FD2] =	sst s25  }
0xa6: {  	s5 =	sshll.u32 s26, $0x1;
	_ =	strace $0x80000046;
	[dreg:$0x1] =	wrdreg $0xFFFFFFFF  }
0xa7: {  	s28 =	simm.s32 $_size_execute0_lowered;
	s3 =	sadd.s32 s3, s5;
	[dreg:$0x0] =	wrdreg $0x0  }
0xa8: {  	s5 =	sshll.u32 s28, $0x1;
	[dreg:$0x2] =	wrdreg s3  }
0xa9: {  	[dreg:$0x3] =	wrdreg s5  }
0xaa: {  	[dreg:$0x4] =	wrdreg $0xC0  }
0xab: {  	_ =	task [dreg:s7], $0x5FFFF  }
0xac: {  	[dreg:$0x1] =	wrdreg $0xFFFFFFFF  }
0xad: {  	[dreg:$0x0] =	wrdreg $0x60  }
0xae: {  	[dreg:$0x2] =	wrdreg s2  }
0xaf: {  	[dreg:$0x3] =	wrdreg s24  }
0xb0: {  	[dreg:$0x4] =	wrdreg $0x9  }
0xb1: {  	_ =	task.clear_ibuf [dreg:s7], $0x5FFFF;
	_ =	strace $0x90000046  }
0xb2: {  	s29 =	simm.s32 $0x9;
	_ =	strace $0x80000048  }
0xb3: {  	_ =	swait.ge [sflag:s29], $0x1  }
0xb4: {  	[sflag:s29] =	ssyncadd.s32 $0xFFFFFFFF  }
0xb5: {  	_ =	strace $0x90000048  }
0xb6: {  	_ =	sfence  }
0xb7: {  	s30 =	sld [smem:$0x0];
	_ =	sdelay $0x2  }
0xb8: {  	s31 =	sshll.u32 s1, $0xD;
	s1 =	sshrl.u32 s1, $0x2  }
0xb9: {  	s3 =	sand.u32 $0x4000, s31;
	s1 =	sadd.s32 s1, s30  }
0xba: {  	s0 =	sor.u32 s3, s0;
	s1 =	sshll.u32 s1, $0x11  }
0xbb: {  	s0 =	sor.u32 s1, s0  }
0xbc: {  	s0 =	sadd.s32 $0x8F2B, s0  }
0xbd: {  	[sflag:s0] =	ssyncadd.remote.s32 $0x1  }
0xbe: {  	_ =	sfence.sel $0xFFFF  }
0xbf: {  	[dreg:$0x0] =	wrdreg $0xFFFFFFFF;
	(pc) =	sbr.abs _section_cstart, $3  }
0xc0: {  	[dreg:$0x1] =	wrdreg $0xFFFFFFFF  }
0xc1: {  	_ =	task.clear_ibuf [dreg:s7], $0x2FFFF;
	_ =	strace $0x9FFFFFFF  }
0xc2: {  	(tm) =	ssettm $0x7FFFFFFF  }
0xc3: {  	_ =	shalt  }
tec
execute0_lowered:
.L_overlay_start_1:
0x0: {  	(tag) =	ssettag $0x1  }
0x1: {  	s0 =	rddreg [dreg:$0x0]  }
0x2: {  	s1 =	rddreg [dreg:$0x1];
	s3 =	srdreg.scid  }
0x3: {  	s2 =	simm.s32 $0x0;
	s5 =	stileid.u32;
	s18 =	simm.s32 $0x1  }
0x4: {  	s20 =	simm.s32 $0x880;
	s28 =	simm.s32 $0x4080;
	s29 =	simm.s32 $0x4880  }
0x5: {  	s30 =	simm.s32 $0x5080;
	s31 =	simm.s32 $0x5880;
	s10 =	simm.s32 $0x7080  }
0x6: {  	s11 =	simm.s32 $0x7880;
	s12 =	simm.s32 $0x8080;
	s13 =	simm.s32 $0x8880  }
0x7: {  	s14 =	simm.s32 $0x9080;
	s15 =	simm.s32 $0x9880;
	s16 =	simm.s32 $0xA080  }
0x8: {  	s17 =	simm.s32 $0xA880;
	s4 =	sand.u32 $0x1, s3;
	[smem:$0x7FF] =	sst s2  }
0x9: {  	s21 =	sshll.u32 s5, $0x8;
	s6 =	sadd.s32 $0xE00, s1;
	s3 =	sadd.s32 $0x1000, s1  }
0xa: {  	s22 =	sshll.u32 s4, $0x7;
	_ =	strace $0x80000047;
	s4 =	ssub.s32 $0x2, s4  }
0xb: {  	s5 =	sor.u32 s22, s21;
	s9 =	sshrl.u32 s4, $0x1;
	s21 =	simm.s32 $0x1080  }
0xc: {  	s22 =	simm.s32 $0x1880;
	s7 =	sshrl.u32 s5, $0x3;
	s8 =	sshll.u32 s5, $0x7  }
0xd: {  	s24 =	ssub.s32 s4, s9;
	s5 =	sor.u32 $0x40, s5;
	s4 =	sadd.s32 $0x1100, s1  }
0xe: {  	s7 =	sadd.s32 s6, s7;
	s8 =	sand.u32 $0x3C000, s8;
	s25 =	sshrl.u32 s5, $0x3  }
0xf: {  	s26 =	sshll.u32 s5, $0x7;
	s5 =	sadd.s32 $0x1200, s1;
	[dreg:$0x3] =	wrdreg s7  }
0x10: {  	s23 =	sadd.s32 s0, s8;
	s7 =	sadd.s32 s6, s25;
	s9 =	sand.u32 $0x3E000, s26  }
0x11: {  	s6 =	sadd.s32 $0x1300, s1;
	s8 =	simm.s32 $0x2;
	[dreg:$0x4] =	wrdreg s23  }
0x12: {  	v2 =	vlaneseq.u32;
	s25 =	simm.s32 $0x3080;
	s26 =	simm.s32 $0x3880;
	[dreg:$0x5] =	wrdreg s7  }
0x13: {  	vm0 =	vmmov $0xffff;
	v1 =	vshrl.u32 v2, $0x3;
	s0 =	sadd.s32 s0, s9;
	s7 =	smax.u32 s24, $0x1;
	s23 =	simm.s32 $0x2080  }
0x14: {  	v0 =	vand.u32 $0x7, v2;
	v2 =	vor.u32 $0x8, v2;
	v1 =	vmul.u32 $0x8, v1;
	s24 =	simm.s32 $0x2880;
	s9 =	simm.s32 $0xB080;
	[dreg:$0x6] =	wrdreg s0  }
.LBB2_1:
0x15: {  	s19 =	rddreg [dreg:$0x3]  }
0x16: {  	[tilespmem:s2], [sflag:$0x2] =	stream.linear.gather [hbm4b:s19+s2], $0x40, $0x38;
	[tilespmem:$0x10080] =	vst v63  }
0x17: {  	_ =	swait.ge [sflag:s8], $0x40  }
0x18: {  	[sflag:s8] =	ssyncset.done $0x0  }
0x19: {  	s0 =	simm.s32 $0x80;
	s1 =	rddreg [dreg:$0x4];
	[sflag:s8] =	ssyncadd.s32 $0xFFFFFFC0  }
0x1a: {  	[tilespmem:s0], [sflag:$0x2] =	stream.linear.gather [hbm4b:s1+s2], $0x10000, $0x38;
	[tilespmem:$0x10080] =	vst v63  }
0x1b: {  	_ =	swait.ge [sflag:s8], $0x10000  }
0x1c: {  	[sflag:s8] =	ssyncset.done $0x0  }
0x1d: {  	[sflag:s8] =	ssyncadd.s32 $0xFFFF0000  }
0x1e: {  	v3 =	vld [tilespmem:$0x0];
	_ =	sdelay $0x4  }
0x1f: {  	v4 =	vshll.u32 v3, $0x3  }
0x20: {  	v3 =	vand.u32 $0x7, v3;
	v4 =	vand.u32 $0xFFFFFFC0, v4  }
0x21: {  	v3 =	vor.u32 v3, v4  }
0x22: {  	v4 =	vperm.xlane v3, v0;
	_ =	sdelay $0x1  }
0x23: {  	v4 =	vadd.s32 v1, v4;
	_ =	sdelay $0x4  }
0x24: {  	[hbm4b:s3+s2] =	stream.indirect_vreg.scatter [tilespmem:s0], [sflag:$0x1], $0x80, v4, vm0, $0xb8;
	[tilespmem:$0x10080] =	vst v63  }
0x25: {  	v3 =	vperm.xlane v3, v2  }
0x26: {  	[hbm4b:s4+s2] =	stream.indirect_vreg.scatter [tilespmem:s20], [sflag:$0x1], $0x80, v4, vm0, $0xb8;
	[tilespmem:$0x10080] =	vst v63  }
0x27: {  	v3 =	vadd.s32 v1, v3  }
0x28: {  	[hbm4b:s5+s2] =	stream.indirect_vreg.scatter [tilespmem:s21], [sflag:$0x1], $0x80, v4, vm0, $0xb8;
	[tilespmem:$0x10080] =	vst v63  }
0x29: {  	_ = 	snop  }
0x2a: {  	[hbm4b:s6+s2] =	stream.indirect_vreg.scatter [tilespmem:s22], [sflag:$0x1], $0x80, v4, vm0, $0xb8;
	[tilespmem:$0x10080] =	vst v63  }
0x2b: {  	_ = 	snop  }
0x2c: {  	[hbm4b:s3+s2] =	stream.indirect_vreg.scatter [tilespmem:s23], [sflag:$0x1], $0x80, v3, vm0, $0xb8;
	[tilespmem:$0x10080] =	vst v63  }
0x2d: {  	_ = 	snop  }
0x2e: {  	[hbm4b:s4+s2] =	stream.indirect_vreg.scatter [tilespmem:s24], [sflag:$0x1], $0x80, v3, vm0, $0xb8;
	[tilespmem:$0x10080] =	vst v63  }
0x2f: {  	_ = 	snop  }
0x30: {  	[hbm4b:s5+s2] =	stream.indirect_vreg.scatter [tilespmem:s25], [sflag:$0x1], $0x80, v3, vm0, $0xb8;
	[tilespmem:$0x10080] =	vst v63  }
0x31: {  	_ = 	snop  }
0x32: {  	[hbm4b:s6+s2] =	stream.indirect_vreg.scatter [tilespmem:s26], [sflag:$0x1], $0x80, v3, vm0, $0xb8;
	[tilespmem:$0x10080] =	vst v63  }
0x33: {  	v3 =	vld [tilespmem:$0x10];
	_ =	sdelay $0x4  }
0x34: {  	v57 =	vshll.u32 v3, $0x3  }
0x35: {  	v3 =	vand.u32 $0x7, v3;
	v4 =	vand.u32 $0xFFFFFFC0, v57  }
0x36: {  	v3 =	vor.u32 v3, v4  }
0x37: {  	v4 =	vperm.xlane v3, v0;
	_ =	sdelay $0x1  }
0x38: {  	v4 =	vadd.s32 v1, v4;
	_ =	sdelay $0x4  }
0x39: {  	[hbm4b:s3+s2] =	stream.indirect_vreg.scatter [tilespmem:s28], [sflag:$0x1], $0x80, v4, vm0, $0xb8;
	[tilespmem:$0x10080] =	vst v63  }
0x3a: {  	v3 =	vperm.xlane v3, v2  }
0x3b: {  	[hbm4b:s4+s2] =	stream.indirect_vreg.scatter [tilespmem:s29], [sflag:$0x1], $0x80, v4, vm0, $0xb8;
	[tilespmem:$0x10080] =	vst v63  }
0x3c: {  	v3 =	vadd.s32 v1, v3  }
0x3d: {  	[hbm4b:s5+s2] =	stream.indirect_vreg.scatter [tilespmem:s30], [sflag:$0x1], $0x80, v4, vm0, $0xb8;
	[tilespmem:$0x10080] =	vst v63  }
0x3e: {  	_ = 	snop  }
0x3f: {  	[hbm4b:s6+s2] =	stream.indirect_vreg.scatter [tilespmem:s31], [sflag:$0x1], $0x80, v4, vm0, $0xb8;
	[tilespmem:$0x10080] =	vst v63  }
0x40: {  	s1 =	simm.s32 $0x6080  }
0x41: {  	[hbm4b:s3+s2] =	stream.indirect_vreg.scatter [tilespmem:s1], [sflag:$0x1], $0x80, v3, vm0, $0xb8;
	[tilespmem:$0x10080] =	vst v63  }
0x42: {  	s1 =	simm.s32 $0x6880  }
0x43: {  	[hbm4b:s4+s2] =	stream.indirect_vreg.scatter [tilespmem:s1], [sflag:$0x1], $0x80, v3, vm0, $0xb8;
	[tilespmem:$0x10080] =	vst v63  }
0x44: {  	_ = 	snop  }
0x45: {  	[hbm4b:s5+s2] =	stream.indirect_vreg.scatter [tilespmem:s10], [sflag:$0x1], $0x80, v3, vm0, $0xb8;
	[tilespmem:$0x10080] =	vst v63  }
0x46: {  	_ = 	snop  }
0x47: {  	[hbm4b:s6+s2] =	stream.indirect_vreg.scatter [tilespmem:s11], [sflag:$0x1], $0x80, v3, vm0, $0xb8;
	[tilespmem:$0x10080] =	vst v63  }
0x48: {  	v3 =	vld [tilespmem:$0x20];
	_ =	sdelay $0x4  }
0x49: {  	v58 =	vshll.u32 v3, $0x3  }
0x4a: {  	v3 =	vand.u32 $0x7, v3;
	v4 =	vand.u32 $0xFFFFFFC0, v58  }
0x4b: {  	v3 =	vor.u32 v3, v4  }
0x4c: {  	v4 =	vperm.xlane v3, v0;
	_ =	sdelay $0x1  }
0x4d: {  	v4 =	vadd.s32 v1, v4;
	_ =	sdelay $0x4  }
0x4e: {  	[hbm4b:s3+s2] =	stream.indirect_vreg.scatter [tilespmem:s12], [sflag:$0x1], $0x80, v4, vm0, $0xb8;
	[tilespmem:$0x10080] =	vst v63  }
0x4f: {  	v3 =	vperm.xlane v3, v2  }
0x50: {  	[hbm4b:s4+s2] =	stream.indirect_vreg.scatter [tilespmem:s13], [sflag:$0x1], $0x80, v4, vm0, $0xb8;
	[tilespmem:$0x10080] =	vst v63  }
0x51: {  	v3 =	vadd.s32 v1, v3  }
0x52: {  	[hbm4b:s5+s2] =	stream.indirect_vreg.scatter [tilespmem:s14], [sflag:$0x1], $0x80, v4, vm0, $0xb8;
	[tilespmem:$0x10080] =	vst v63  }
0x53: {  	_ = 	snop  }
0x54: {  	[hbm4b:s6+s2] =	stream.indirect_vreg.scatter [tilespmem:s15], [sflag:$0x1], $0x80, v4, vm0, $0xb8;
	[tilespmem:$0x10080] =	vst v63  }
0x55: {  	_ = 	snop  }
0x56: {  	[hbm4b:s3+s2] =	stream.indirect_vreg.scatter [tilespmem:s16], [sflag:$0x1], $0x80, v3, vm0, $0xb8;
	[tilespmem:$0x10080] =	vst v63  }
0x57: {  	_ = 	snop  }
0x58: {  	[hbm4b:s4+s2] =	stream.indirect_vreg.scatter [tilespmem:s17], [sflag:$0x1], $0x80, v3, vm0, $0xb8;
	[tilespmem:$0x10080] =	vst v63  }
0x59: {  	_ = 	snop  }
0x5a: {  	[hbm4b:s5+s2] =	stream.indirect_vreg.scatter [tilespmem:s9], [sflag:$0x1], $0x80, v3, vm0, $0xb8;
	[tilespmem:$0x10080] =	vst v63  }
0x5b: {  	s19 =	simm.s32 $0xB880  }
0x5c: {  	[hbm4b:s6+s2] =	stream.indirect_vreg.scatter [tilespmem:s19], [sflag:$0x1], $0x80, v3, vm0, $0xb8;
	[tilespmem:$0x10080] =	vst v63  }
0x5d: {  	v3 =	vld [tilespmem:$0x30];
	_ =	sdelay $0x4  }
0x5e: {  	v59 =	vshll.u32 v3, $0x3  }
0x5f: {  	v3 =	vand.u32 $0x7, v3;
	v4 =	vand.u32 $0xFFFFFFC0, v59  }
0x60: {  	v3 =	vor.u32 v3, v4  }
0x61: {  	v4 =	vperm.xlane v3, v0;
	_ =	sdelay $0x1  }
0x62: {  	v4 =	vadd.s32 v1, v4;
	_ =	sdelay $0x3  }
0x63: {  	s19 =	simm.s32 $0xC080  }
0x64: {  	[hbm4b:s3+s2] =	stream.indirect_vreg.scatter [tilespmem:s19], [sflag:$0x1], $0x80, v4, vm0, $0xb8;
	[tilespmem:$0x10080] =	vst v63  }
0x65: {  	v3 =	vperm.xlane v3, v2;
	s19 =	simm.s32 $0xC880  }
0x66: {  	[hbm4b:s4+s2] =	stream.indirect_vreg.scatter [tilespmem:s19], [sflag:$0x1], $0x80, v4, vm0, $0xb8;
	[tilespmem:$0x10080] =	vst v63  }
0x67: {  	v3 =	vadd.s32 v1, v3;
	s19 =	simm.s32 $0xD080  }
0x68: {  	[hbm4b:s5+s2] =	stream.indirect_vreg.scatter [tilespmem:s19], [sflag:$0x1], $0x80, v4, vm0, $0xb8;
	[tilespmem:$0x10080] =	vst v63  }
0x69: {  	s19 =	simm.s32 $0xD880  }
0x6a: {  	[hbm4b:s6+s2] =	stream.indirect_vreg.scatter [tilespmem:s19], [sflag:$0x1], $0x80, v4, vm0, $0xb8;
	[tilespmem:$0x10080] =	vst v63  }
0x6b: {  	s19 =	simm.s32 $0xE080  }
0x6c: {  	[hbm4b:s3+s2] =	stream.indirect_vreg.scatter [tilespmem:s19], [sflag:$0x1], $0x80, v3, vm0, $0xb8;
	[tilespmem:$0x10080] =	vst v63  }
0x6d: {  	s19 =	simm.s32 $0xE880  }
0x6e: {  	[hbm4b:s4+s2] =	stream.indirect_vreg.scatter [tilespmem:s19], [sflag:$0x1], $0x80, v3, vm0, $0xb8;
	[tilespmem:$0x10080] =	vst v63  }
0x6f: {  	s19 =	simm.s32 $0xF080  }
0x70: {  	[hbm4b:s5+s2] =	stream.indirect_vreg.scatter [tilespmem:s19], [sflag:$0x1], $0x80, v3, vm0, $0xb8;
	[tilespmem:$0x10080] =	vst v63  }
0x71: {  	s19 =	simm.s32 $0xF880  }
0x72: {  	[hbm4b:s6+s2] =	stream.indirect_vreg.scatter [tilespmem:s19], [sflag:$0x1], $0x80, v3, vm0, $0xb8;
	[tilespmem:$0x10080] =	vst v63  }
0x73: {  	_ =	swait.ge [sflag:s18], $0x10000  }
0x74: {  	[sflag:s18] =	ssyncset.done $0x0  }
0x75: {  	s19 =	rddreg [dreg:$0x5];
	[sflag:s18] =	ssyncadd.s32 $0xFFFF0000  }
0x76: {  	[tilespmem:s2], [sflag:$0x2] =	stream.linear.gather [hbm4b:s19+s2], $0x40, $0x38;
	[tilespmem:$0x10080] =	vst v63  }
0x77: {  	_ =	swait.ge [sflag:s8], $0x40  }
0x78: {  	[sflag:s8] =	ssyncset.done $0x0  }
0x79: {  	s19 =	rddreg [dreg:$0x6];
	[sflag:s8] =	ssyncadd.s32 $0xFFFFFFC0  }
0x7a: {  	[tilespmem:s0], [sflag:$0x2] =	stream.linear.gather [hbm4b:s19+s2], $0x10000, $0x38;
	[tilespmem:$0x10080] =	vst v63  }
0x7b: {  	_ =	swait.ge [sflag:s8], $0x10000  }
0x7c: {  	[sflag:s8] =	ssyncset.done $0x0  }
0x7d: {  	[sflag:s8] =	ssyncadd.s32 $0xFFFF0000  }
0x7e: {  	v3 =	vld [tilespmem:$0x0];
	_ =	sdelay $0x4  }
0x7f: {  	v60 =	vshll.u32 v3, $0x3  }
0x80: {  	v3 =	vand.u32 $0x7, v3;
	v4 =	vand.u32 $0xFFFFFFC0, v60  }
0x81: {  	v3 =	vor.u32 v3, v4  }
0x82: {  	v4 =	vperm.xlane v3, v0;
	_ =	sdelay $0x1  }
0x83: {  	v4 =	vadd.s32 v1, v4;
	_ =	sdelay $0x4  }
0x84: {  	[hbm4b:s3+s2] =	stream.indirect_vreg.scatter [tilespmem:s0], [sflag:$0x1], $0x80, v4, vm0, $0xb8;
	[tilespmem:$0x10080] =	vst v63  }
0x85: {  	v3 =	vperm.xlane v3, v2  }
0x86: {  	[hbm4b:s4+s2] =	stream.indirect_vreg.scatter [tilespmem:s20], [sflag:$0x1], $0x80, v4, vm0, $0xb8;
	[tilespmem:$0x10080] =	vst v63  }
0x87: {  	v3 =	vadd.s32 v1, v3  }
0x88: {  	[hbm4b:s5+s2] =	stream.indirect_vreg.scatter [tilespmem:s21], [sflag:$0x1], $0x80, v4, vm0, $0xb8;
	[tilespmem:$0x10080] =	vst v63  }
0x89: {  	_ = 	snop  }
0x8a: {  	[hbm4b:s6+s2] =	stream.indirect_vreg.scatter [tilespmem:s22], [sflag:$0x1], $0x80, v4, vm0, $0xb8;
	[tilespmem:$0x10080] =	vst v63  }
0x8b: {  	_ = 	snop  }
0x8c: {  	[hbm4b:s3+s2] =	stream.indirect_vreg.scatter [tilespmem:s23], [sflag:$0x1], $0x80, v3, vm0, $0xb8;
	[tilespmem:$0x10080] =	vst v63  }
0x8d: {  	_ = 	snop  }
0x8e: {  	[hbm4b:s4+s2] =	stream.indirect_vreg.scatter [tilespmem:s24], [sflag:$0x1], $0x80, v3, vm0, $0xb8;
	[tilespmem:$0x10080] =	vst v63  }
0x8f: {  	_ = 	snop  }
0x90: {  	[hbm4b:s5+s2] =	stream.indirect_vreg.scatter [tilespmem:s25], [sflag:$0x1], $0x80, v3, vm0, $0xb8;
	[tilespmem:$0x10080] =	vst v63  }
0x91: {  	_ = 	snop  }
0x92: {  	[hbm4b:s6+s2] =	stream.indirect_vreg.scatter [tilespmem:s26], [sflag:$0x1], $0x80, v3, vm0, $0xb8;
	[tilespmem:$0x10080] =	vst v63  }
0x93: {  	v3 =	vld [tilespmem:$0x10];
	_ =	sdelay $0x4  }
0x94: {  	v61 =	vshll.u32 v3, $0x3  }
0x95: {  	v3 =	vand.u32 $0x7, v3;
	v4 =	vand.u32 $0xFFFFFFC0, v61  }
0x96: {  	v3 =	vor.u32 v3, v4  }
0x97: {  	v4 =	vperm.xlane v3, v0;
	_ =	sdelay $0x1  }
0x98: {  	v4 =	vadd.s32 v1, v4;
	_ =	sdelay $0x4  }
0x99: {  	[hbm4b:s3+s2] =	stream.indirect_vreg.scatter [tilespmem:s28], [sflag:$0x1], $0x80, v4, vm0, $0xb8;
	[tilespmem:$0x10080] =	vst v63  }
0x9a: {  	v3 =	vperm.xlane v3, v2  }
0x9b: {  	[hbm4b:s4+s2] =	stream.indirect_vreg.scatter [tilespmem:s29], [sflag:$0x1], $0x80, v4, vm0, $0xb8;
	[tilespmem:$0x10080] =	vst v63  }
0x9c: {  	v3 =	vadd.s32 v1, v3  }
0x9d: {  	[hbm4b:s5+s2] =	stream.indirect_vreg.scatter [tilespmem:s30], [sflag:$0x1], $0x80, v4, vm0, $0xb8;
	[tilespmem:$0x10080] =	vst v63  }
0x9e: {  	_ = 	snop  }
0x9f: {  	[hbm4b:s6+s2] =	stream.indirect_vreg.scatter [tilespmem:s31], [sflag:$0x1], $0x80, v4, vm0, $0xb8;
	[tilespmem:$0x10080] =	vst v63  }
0xa0: {  	s19 =	simm.s32 $0x6080  }
0xa1: {  	[hbm4b:s3+s2] =	stream.indirect_vreg.scatter [tilespmem:s19], [sflag:$0x1], $0x80, v3, vm0, $0xb8;
	[tilespmem:$0x10080] =	vst v63  }
0xa2: {  	_ = 	snop  }
0xa3: {  	[hbm4b:s4+s2] =	stream.indirect_vreg.scatter [tilespmem:s1], [sflag:$0x1], $0x80, v3, vm0, $0xb8;
	[tilespmem:$0x10080] =	vst v63  }
0xa4: {  	_ = 	snop  }
0xa5: {  	[hbm4b:s5+s2] =	stream.indirect_vreg.scatter [tilespmem:s10], [sflag:$0x1], $0x80, v3, vm0, $0xb8;
	[tilespmem:$0x10080] =	vst v63  }
0xa6: {  	_ = 	snop  }
0xa7: {  	[hbm4b:s6+s2] =	stream.indirect_vreg.scatter [tilespmem:s11], [sflag:$0x1], $0x80, v3, vm0, $0xb8;
	[tilespmem:$0x10080] =	vst v63  }
0xa8: {  	v3 =	vld [tilespmem:$0x20];
	_ =	sdelay $0x4  }
0xa9: {  	v62 =	vshll.u32 v3, $0x3  }
0xaa: {  	v3 =	vand.u32 $0x7, v3;
	v4 =	vand.u32 $0xFFFFFFC0, v62  }
0xab: {  	v3 =	vor.u32 v3, v4  }
0xac: {  	v4 =	vperm.xlane v3, v0;
	_ =	sdelay $0x1  }
0xad: {  	v4 =	vadd.s32 v1, v4;
	_ =	sdelay $0x4  }
0xae: {  	[hbm4b:s3+s2] =	stream.indirect_vreg.scatter [tilespmem:s12], [sflag:$0x1], $0x80, v4, vm0, $0xb8;
	[tilespmem:$0x10080] =	vst v63  }
0xaf: {  	v3 =	vperm.xlane v3, v2  }
0xb0: {  	[hbm4b:s4+s2] =	stream.indirect_vreg.scatter [tilespmem:s13], [sflag:$0x1], $0x80, v4, vm0, $0xb8;
	[tilespmem:$0x10080] =	vst v63  }
0xb1: {  	v3 =	vadd.s32 v1, v3  }
0xb2: {  	[hbm4b:s5+s2] =	stream.indirect_vreg.scatter [tilespmem:s14], [sflag:$0x1], $0x80, v4, vm0, $0xb8;
	[tilespmem:$0x10080] =	vst v63  }
0xb3: {  	_ = 	snop  }
0xb4: {  	[hbm4b:s6+s2] =	stream.indirect_vreg.scatter [tilespmem:s15], [sflag:$0x1], $0x80, v4, vm0, $0xb8;
	[tilespmem:$0x10080] =	vst v63  }
0xb5: {  	_ = 	snop  }
0xb6: {  	[hbm4b:s3+s2] =	stream.indirect_vreg.scatter [tilespmem:s16], [sflag:$0x1], $0x80, v3, vm0, $0xb8;
	[tilespmem:$0x10080] =	vst v63  }
0xb7: {  	_ = 	snop  }
0xb8: {  	[hbm4b:s4+s2] =	stream.indirect_vreg.scatter [tilespmem:s17], [sflag:$0x1], $0x80, v3, vm0, $0xb8;
	[tilespmem:$0x10080] =	vst v63  }
0xb9: {  	_ = 	snop  }
0xba: {  	[hbm4b:s5+s2] =	stream.indirect_vreg.scatter [tilespmem:s9], [sflag:$0x1], $0x80, v3, vm0, $0xb8;
	[tilespmem:$0x10080] =	vst v63  }
0xbb: {  	s19 =	simm.s32 $0xB880  }
0xbc: {  	[hbm4b:s6+s2] =	stream.indirect_vreg.scatter [tilespmem:s19], [sflag:$0x1], $0x80, v3, vm0, $0xb8;
	[tilespmem:$0x10080] =	vst v63  }
0xbd: {  	v3 =	vld [tilespmem:$0x30];
	_ =	sdelay $0x4  }
0xbe: {  	v63 =	vshll.u32 v3, $0x3  }
0xbf: {  	v3 =	vand.u32 $0x7, v3;
	v4 =	vand.u32 $0xFFFFFFC0, v63  }
0xc0: {  	v3 =	vor.u32 v3, v4  }
0xc1: {  	v4 =	vperm.xlane v3, v0;
	_ =	sdelay $0x1  }
0xc2: {  	v4 =	vadd.s32 v1, v4;
	_ =	sdelay $0x3  }
0xc3: {  	s1 =	simm.s32 $0xC080  }
0xc4: {  	[hbm4b:s3+s2] =	stream.indirect_vreg.scatter [tilespmem:s1], [sflag:$0x1], $0x80, v4, vm0, $0xb8;
	[tilespmem:$0x10080] =	vst v63  }
0xc5: {  	s19 =	simm.s32 $0xC880;
	v3 =	vperm.xlane v3, v2  }
0xc6: {  	[hbm4b:s4+s2] =	stream.indirect_vreg.scatter [tilespmem:s19], [sflag:$0x1], $0x80, v4, vm0, $0xb8;
	[tilespmem:$0x10080] =	vst v63  }
0xc7: {  	v3 =	vadd.s32 v1, v3;
	s1 =	simm.s32 $0xD080  }
0xc8: {  	[hbm4b:s5+s2] =	stream.indirect_vreg.scatter [tilespmem:s1], [sflag:$0x1], $0x80, v4, vm0, $0xb8;
	[tilespmem:$0x10080] =	vst v63  }
0xc9: {  	s19 =	simm.s32 $0xD880  }
0xca: {  	[hbm4b:s6+s2] =	stream.indirect_vreg.scatter [tilespmem:s19], [sflag:$0x1], $0x80, v4, vm0, $0xb8;
	[tilespmem:$0x10080] =	vst v63  }
0xcb: {  	s1 =	simm.s32 $0xE080  }
0xcc: {  	[hbm4b:s3+s2] =	stream.indirect_vreg.scatter [tilespmem:s1], [sflag:$0x1], $0x80, v3, vm0, $0xb8;
	[tilespmem:$0x10080] =	vst v63  }
0xcd: {  	s19 =	simm.s32 $0xE880  }
0xce: {  	[hbm4b:s4+s2] =	stream.indirect_vreg.scatter [tilespmem:s19], [sflag:$0x1], $0x80, v3, vm0, $0xb8;
	[tilespmem:$0x10080] =	vst v63  }
0xcf: {  	p0 =	sne.s32 s7, $0x1;
	s1 =	simm.s32 $0xF080  }
0xd0: {  	[hbm4b:s5+s2] =	stream.indirect_vreg.scatter [tilespmem:s1], [sflag:$0x1], $0x80, v3, vm0, $0xb8;
	[tilespmem:$0x10080] =	vst v63  }
.Ltmp0:
0xd1: {  	s19 =	simm.s32 $0xF880;
	(pc) =	sbr.rel @p0 .LBB2_1-.Ltmp0, $4  }
0xd2: {  	[hbm4b:s6+s2] =	stream.indirect_vreg.scatter [tilespmem:s19], [sflag:$0x1], $0x80, v3, vm0, $0xb8;
	[tilespmem:$0x10080] =	vst v63  }
0xd3: {  	_ =	swait.ge [sflag:s18], $0x10000  }
0xd4: {  	[sflag:s18] =	ssyncset.done $0x0  }
0xd5: {  	s7 =	sadd.s32 $0xFFFFFFFF, s7;
	[sflag:s18] =	ssyncadd.s32 $0xFFFF0000  }
0xd6: {  	_ =	sfence.sel $0x180000  }
0xd7: {  	[bflag:$0x0] =	sbarrier.arrive $0xFFFF  }
0xd8: {  	_ =	strace $0x90000047  }
0xd9: {  	s0 =	stileid.u32;
	[bflag:$0x2] =	sbarrier.arrive $0xFFFF  }
0xda: {  	p0 =	sne.s32 s0, $0x0;
	s0 =	rddreg [dreg:$0x2]  }
0xdb: {  	s0 =	sadd.s32 @!p0 $0x100000, s0  }
0xdc: {  	[sflag:s0] =	ssyncadd.tile.s32 @!p0 $0x1;
	_ =	shalt  }
.Lfunc_end2:
_tile_overlayer_lowered:
.L_overlay_start_2:
0xdd: {  	(tag) =	ssettag $0x2  }
0xde: {  	s0 =	rddreg [dreg:$0x0];
	s2 =	stileid.u32  }
0xdf: {  	s1 =	rddreg [dreg:$0x1];
	p0 =	sne.s32 s2, $0x0  }
0xe0: {  	s3 =	rddreg [dreg:$0x2];
	[bflag:$0x3] =	sbarrier.arrive $0xFFFF;
	s2 =	simm.s32 @!p0 $0x1C02  }
0xe1: {  	[timem:s3], [sflag:s2] =	dma.local @!p0 [hbm:s0], s1  }
0xe2: {  	s0 =	simm.s32 @!p0 $0x2  }
0xe3: {  	_ =	swait.ge @!p0 [sflag:s0], s1  }
0xe4: {  	s1 =	ssub.s32 @!p0 $0x0, s1;
	[sflag:s0] =	ssyncset.done @!p0 $0x0  }
0xe5: {  	[sflag:s0] =	ssyncadd.s32 @!p0 s1  }
0xe6: {  	[bflag:$0x3] =	sbarrier.arrive $0xFFFF  }
0xe7: {  	_ =	shalt  }

</sc_bundles>
